<compile_context>
chip_gen: v7x
topology: tpu7x:2x2x1
jax: 0.10.2.dev20260603
libtpu: 0.0.44.dev20260713+nightly
codegen_flags: <defaults>
</compile_context>

<pallas_src>
import functools

import jax
import jax.numpy as jnp
from jax import lax
from jax.experimental import pallas as pl
from jax.experimental.pallas import tpu as pltpu
from jax.experimental.pallas import tpu_sc as plsc

L = 16
NBUF = 3


def _rcumsum_body(nrows_per_worker, nvec, num_cores, x_hbm, out_hbm,
                  b0, b1, b2, ls0, ls1, ls2, ss0, ss1, ss2):
    bufs = (b0, b1, b2)
    lsems = (ls0, ls1, ls2)
    ssems = (ss0, ss1, ss2)
    n_cols = nvec * L
    wid = lax.axis_index("s") * num_cores + lax.axis_index("c")
    row0 = wid * nrows_per_worker

    dnums = lax.GatherDimensionNumbers(
        offset_dims=(), collapsed_slice_dims=(0,), start_index_map=(0,))
    idx_last = jnp.full((L,), L - 1, dtype=jnp.int32)

    def load(r, b):
        pltpu.make_async_copy(x_hbm.at[row0 + r], bufs[b], lsems[b]).start()

    def wait_load(b):
        pltpu.make_async_copy(x_hbm.at[row0], bufs[b], lsems[b]).wait()

    def store(r, b):
        pltpu.make_async_copy(bufs[b], out_hbm.at[row0 + r], ssems[b]).start()

    def wait_store(b):
        pltpu.make_async_copy(bufs[b], out_hbm.at[row0], ssems[b]).wait()

    def compute(buf):
        def step(i, carry):
            j = nvec - 1 - i
            base = pl.multiple_of(j * L, L)
            v = buf[pl.ds(base, L)]
            p = plsc.cumsum(v)
            tot = lax.gather(
                p, idx_last[:, None], dnums, (1,),
                mode=lax.GatherScatterMode.PROMISE_IN_BOUNDS)
            buf[pl.ds(base, L)] = carry + tot - p + v
            return carry + tot

        lax.fori_loop(0, nvec, step, jnp.zeros((L,), jnp.float32), unroll=16)

    load(0, 0)

    def outer(g, _):
        for b in range(NBUF):
            r = g * NBUF + b

            @pl.when(r < nrows_per_worker)
            def _():
                wait_load(b)
                nb = (b + 1) % NBUF

                @pl.when(r + 1 < nrows_per_worker)
                def _():
                    @pl.when(r + 1 - NBUF >= 0)
                    def _():
                        wait_store(nb)

                    load(r + 1, nb)

                compute(bufs[b])
                store(r, b)

        return 0

    n_outer = (nrows_per_worker + NBUF - 1) // NBUF
    lax.fori_loop(0, n_outer, outer, 0)
    for b in range(NBUF):
        last_r = nrows_per_worker - NBUF + b
        if last_r >= 0:
            wait_store((last_r) % NBUF)


def kernel(x):
    n_rows, n_cols = x.shape
    try:
        info = plsc.get_sparse_core_info()
        num_cores, num_subcores = info.num_cores, info.num_subcores
    except Exception:
        num_cores, num_subcores = 2, 16
    n_workers = num_cores * num_subcores
    assert n_rows % n_workers == 0 and n_cols % L == 0
    nrows_per_worker = n_rows // n_workers
    nvec = n_cols // L

    mesh = plsc.VectorSubcoreMesh(
        core_axis_name="c", subcore_axis_name="s",
        num_cores=num_cores, num_subcores=num_subcores,
    )
    body = functools.partial(_rcumsum_body, nrows_per_worker, nvec, num_cores)
    f = pl.kernel(
        body,
        out_type=jax.ShapeDtypeStruct((n_rows, n_cols), jnp.float32),
        mesh=mesh,
        scratch_types=(
            [pltpu.VMEM((n_cols,), jnp.float32)] * NBUF
            + [pltpu.SemaphoreType.DMA] * (2 * NBUF)
        ),
        compiler_params=pltpu.CompilerParams(needs_layout_passes=False),
    )
    return f(x)

# --- scband reference (transcript-rebuilt; emitter-appended) ---
"""Pipeline reference for scband-model-new-73315091744595 (READ-ONLY COPY).

The authoritative reference and input builder live on the scoring server;
editing this copy changes nothing except your own understanding.
"""

import jax, jax.numpy as jnp
import numpy as np

DIM = 1

def setup_inputs(seed: int = 0) -> dict:
    key = jax.random.key(seed)
    x = jax.random.normal(key, (1024, 32768), dtype=jnp.float32)
    return {"x": x}

def reference(x):
    # reverse cumulative sum along DIM: out[i] = sum_{j>=i} x[j]
    return jnp.flip(jnp.cumsum(jnp.flip(x, axis=DIM), axis=DIM), axis=DIM)

if __name__ == "__main__":
    import jax
    _d = setup_inputs()
    print(jax.jit(kernel)(*tuple(_d.values())))

</pallas_src>

<mosaic_0001>
#map = affine_map<(d0, d1) -> (0, 0)>
module attributes {stable_mosaic.version = 14 : i64} {
  func.func @_rcumsum_body(%arg0: i32, %arg1: i32, %arg2: memref<1024x32768xf32, #tpu.memory_space<hbm>>, %arg3: memref<1024x32768xf32, #tpu.memory_space<hbm>>, %arg4: memref<32768xf32, #tpu.memory_space<vmem>>, %arg5: memref<32768xf32, #tpu.memory_space<vmem>>, %arg6: memref<32768xf32, #tpu.memory_space<vmem>>, %arg7: memref<!tpu.dma_semaphore, #tpu.memory_space<semaphore_mem>>, %arg8: memref<!tpu.dma_semaphore, #tpu.memory_space<semaphore_mem>>, %arg9: memref<!tpu.dma_semaphore, #tpu.memory_space<semaphore_mem>>, %arg10: memref<!tpu.dma_semaphore, #tpu.memory_space<semaphore_mem>>, %arg11: memref<!tpu.dma_semaphore, #tpu.memory_space<semaphore_mem>>, %arg12: memref<!tpu.dma_semaphore, #tpu.memory_space<semaphore_mem>>) attributes {dimension_semantics = [#tpu.dimension_semantics<core_parallel>, #tpu.dimension_semantics<subcore_parallel>], iteration_bounds = array<i64: 2, 16>, scalar_prefetch = 0 : i64, scratch_operands = 9 : i64, tpu.core_type = #tpu.core_type<sc_vector_subcore>, window_params = [{transform_indices = #map}, {transform_indices = #map}]} {
    %mul3A = arith.constant 2 : i32
    %mul3A_0 = arith.muli %arg1, %mul3A : i32
    %add3A = arith.addi %mul3A_0, %arg0 : i32
    %mul3A_1 = arith.constant 32 : i32
    %mul3A_2 = arith.muli %add3A, %mul3A_1 : i32
    %broadcast_in_dim3A = arith.constant 15 : i32
    %broadcast_in_dim3A_3 = vector.broadcast %broadcast_in_dim3A : i32 to vector<16xi32>
    %add3A_4 = arith.constant 0 : i32
    %add3A_5 = arith.addi %mul3A_2, %add3A_4 : i32
    %dma_start3A = arith.constant 0 : i32
    %dma_start3A_6 = tpu.memref_slice %arg2[%add3A_5, %dma_start3A] : memref<1024x32768xf32, #tpu.memory_space<hbm>> -> memref<1x32768xf32, #tpu.memory_space<hbm>>
    %dma_start3A_7 = tpu.memref_squeeze %dma_start3A_6 : memref<1x32768xf32, #tpu.memory_space<hbm>> -> memref<32768xf32, #tpu.memory_space<hbm>>
    %dma_start3A_8 = arith.constant 0 : i32
    %dma_start3A_9 = tpu.memref_slice %arg2[%add3A_5, %dma_start3A_8] : memref<1024x32768xf32, #tpu.memory_space<hbm>> -> memref<1x32768xf32, #tpu.memory_space<hbm>>
    %dma_start3A_10 = tpu.memref_squeeze %dma_start3A_9 : memref<1x32768xf32, #tpu.memory_space<hbm>> -> memref<32768xf32, #tpu.memory_space<hbm>>
    tpu.enqueue_dma source(%dma_start3A_10 : memref<32768xf32, #tpu.memory_space<hbm>>) target(%arg4 : memref<32768xf32, #tpu.memory_space<vmem>>) target_semaphore(%arg7 : memref<!tpu.dma_semaphore, #tpu.memory_space<semaphore_mem>>)
    %scan3A = arith.constant 0 : i32
    %scan3A_11 = arith.constant 0 : i32
    %scan3A_12 = arith.constant 11 : i32
    %scan3A_13 = arith.addi %scan3A_11, %scan3A_12 : i32
    %scan3A_14 = arith.constant 1 : i32
    %scan3A_15 = scf.for %scan3A_34 = %scan3A_11 to %scan3A_13 step %scan3A_14 iter_args(%scan3A_35 = %scan3A) -> (i32)  : i32 {
      %mul3A_36 = arith.constant 3 : i32
      %mul3A_37 = arith.muli %scan3A_34, %mul3A_36 : i32
      %add3A_38 = arith.constant 0 : i32
      %add3A_39 = arith.addi %mul3A_37, %add3A_38 : i32
      %lt3A = arith.constant 32 : i32
      %lt3A_40 = arith.cmpi slt, %add3A_39, %lt3A : i32
      %convert_element_type3A = arith.extui %lt3A_40 : i1 to i32
      %cond3A = arith.constant 0 : i32
      %cond3A_41 = arith.cmpi ne, %convert_element_type3A, %cond3A : i32
      scf.if %cond3A_41 {
        %dma_wait3A_61 = arith.constant 0 : i32
        %dma_wait3A_62 = tpu.memref_slice %arg2[%mul3A_2, %dma_wait3A_61] : memref<1024x32768xf32, #tpu.memory_space<hbm>> -> memref<1x32768xf32, #tpu.memory_space<hbm>>
        %dma_wait3A_63 = tpu.memref_squeeze %dma_wait3A_62 : memref<1x32768xf32, #tpu.memory_space<hbm>> -> memref<32768xf32, #tpu.memory_space<hbm>>
        %dma_wait3A_64 = arith.constant 0 : i32
        %dma_wait3A_65 = tpu.memref_slice %arg2[%mul3A_2, %dma_wait3A_64] : memref<1024x32768xf32, #tpu.memory_space<hbm>> -> memref<1x32768xf32, #tpu.memory_space<hbm>>
        %dma_wait3A_66 = tpu.memref_squeeze %dma_wait3A_65 : memref<1x32768xf32, #tpu.memory_space<hbm>> -> memref<32768xf32, #tpu.memory_space<hbm>>
        tpu.wait_dma2 semaphore(%arg7 : memref<!tpu.dma_semaphore, #tpu.memory_space<semaphore_mem>>) src(%dma_wait3A_66 : memref<32768xf32, #tpu.memory_space<hbm>>) dst(%arg4 : memref<32768xf32, #tpu.memory_space<vmem>>)
        %add3A_67 = arith.constant 1 : i32
        %add3A_68 = arith.addi %add3A_39, %add3A_67 : i32
        %lt3A_69 = arith.constant 32 : i32
        %lt3A_70 = arith.cmpi slt, %add3A_68, %lt3A_69 : i32
        %convert_element_type3A_71 = arith.extui %lt3A_70 : i1 to i32
        %cond3A_72 = arith.constant 0 : i32
        %cond3A_73 = arith.cmpi ne, %convert_element_type3A_71, %cond3A_72 : i32
        scf.if %cond3A_73 {
          %add3A_89 = arith.constant 1 : i32
          %add3A_90 = arith.addi %add3A_39, %add3A_89 : i32
          %sub3A = arith.constant 3 : i32
          %sub3A_91 = arith.subi %add3A_90, %sub3A : i32
          %ge3A = arith.constant 0 : i32
          %ge3A_92 = arith.cmpi sge, %sub3A_91, %ge3A : i32
          %convert_element_type3A_93 = arith.extui %ge3A_92 : i1 to i32
          %cond3A_94 = arith.constant 0 : i32
          %cond3A_95 = arith.cmpi ne, %convert_element_type3A_93, %cond3A_94 : i32
          scf.if %cond3A_95 {
            %dma_wait3A_105 = arith.constant 0 : i32
            %dma_wait3A_106 = tpu.memref_slice %arg3[%mul3A_2, %dma_wait3A_105] : memref<1024x32768xf32, #tpu.memory_space<hbm>> -> memref<1x32768xf32, #tpu.memory_space<hbm>>
            %dma_wait3A_107 = tpu.memref_squeeze %dma_wait3A_106 : memref<1x32768xf32, #tpu.memory_space<hbm>> -> memref<32768xf32, #tpu.memory_space<hbm>>
            %dma_wait3A_108 = arith.constant 0 : i32
            %dma_wait3A_109 = tpu.memref_slice %arg3[%mul3A_2, %dma_wait3A_108] : memref<1024x32768xf32, #tpu.memory_space<hbm>> -> memref<1x32768xf32, #tpu.memory_space<hbm>>
            %dma_wait3A_110 = tpu.memref_squeeze %dma_wait3A_109 : memref<1x32768xf32, #tpu.memory_space<hbm>> -> memref<32768xf32, #tpu.memory_space<hbm>>
            tpu.wait_dma2 semaphore(%arg11 : memref<!tpu.dma_semaphore, #tpu.memory_space<semaphore_mem>>) src(%arg5 : memref<32768xf32, #tpu.memory_space<vmem>>) dst(%dma_wait3A_110 : memref<32768xf32, #tpu.memory_space<hbm>>)
          } else {
          }
          %add3A_96 = arith.constant 1 : i32
          %add3A_97 = arith.addi %add3A_39, %add3A_96 : i32
          %add3A_98 = arith.addi %mul3A_2, %add3A_97 : i32
          %dma_start3A_99 = arith.constant 0 : i32
          %dma_start3A_100 = tpu.memref_slice %arg2[%add3A_98, %dma_start3A_99] : memref<1024x32768xf32, #tpu.memory_space<hbm>> -> memref<1x32768xf32, #tpu.memory_space<hbm>>
          %dma_start3A_101 = tpu.memref_squeeze %dma_start3A_100 : memref<1x32768xf32, #tpu.memory_space<hbm>> -> memref<32768xf32, #tpu.memory_space<hbm>>
          %dma_start3A_102 = arith.constant 0 : i32
          %dma_start3A_103 = tpu.memref_slice %arg2[%add3A_98, %dma_start3A_102] : memref<1024x32768xf32, #tpu.memory_space<hbm>> -> memref<1x32768xf32, #tpu.memory_space<hbm>>
          %dma_start3A_104 = tpu.memref_squeeze %dma_start3A_103 : memref<1x32768xf32, #tpu.memory_space<hbm>> -> memref<32768xf32, #tpu.memory_space<hbm>>
          tpu.enqueue_dma source(%dma_start3A_104 : memref<32768xf32, #tpu.memory_space<hbm>>) target(%arg5 : memref<32768xf32, #tpu.memory_space<vmem>>) target_semaphore(%arg8 : memref<!tpu.dma_semaphore, #tpu.memory_space<semaphore_mem>>)
        } else {
        }
        %broadcast_in_dim3A_74 = arith.constant 0.000000e+00 : f32
        %broadcast_in_dim3A_75 = vector.broadcast %broadcast_in_dim3A_74 : f32 to vector<16xf32>
        %scan3A_76 = arith.constant 0 : i32
        %scan3A_77 = arith.constant 2048 : i32
        %scan3A_78 = arith.addi %scan3A_76, %scan3A_77 : i32
        %scan3A_79 = arith.constant 16 : i32
        %scan3A_80 = scf.for %scan3A_89 = %scan3A_76 to %scan3A_78 step %scan3A_79 iter_args(%scan3A_90 = %broadcast_in_dim3A_75) -> (vector<16xf32>)  : i32 {
          %sub3A = arith.constant 2047 : i32
          %sub3A_91 = arith.subi %sub3A, %scan3A_89 : i32
          %mul3A_92 = arith.constant 16 : i32
          %mul3A_93 = arith.muli %sub3A_91, %mul3A_92 : i32
          %multiple_of3A = tpu.assume_multiple %mul3A_93, 16 : i32
          %get3A = arith.index_cast %multiple_of3A : i32 to index
          %get3A_94 = tpu.vector_load %arg4[%get3A] {strides = array<i32>} : memref<32768xf32, #tpu.memory_space<vmem>>, vector<16xf32>,
          %broadcast_in_dim3A_95 = arith.constant true
          %broadcast_in_dim3A_96 = vector.broadcast %broadcast_in_dim3A_95 : i1 to vector<16xi1>
          %masked_cumsum3A = tpu.scan <sum>, %get3A_94 masked %broadcast_in_dim3A_96 : vector<16xf32>, vector<16xi1> -> vector<16xf32>
          %broadcast_in_dim3A_97 = vector.shape_cast %broadcast_in_dim3A_3 : vector<16xi32> to vector<16x1xi32>
          %gather3A = vector.shape_cast %broadcast_in_dim3A_97 : vector<16x1xi32> to vector<16xi32>
          %gather3A_98 = tpu.dynamic_gather %masked_cumsum3A[%gather3A] in [0] : vector<16xf32>, vector<16xi32> -> vector<16xf32>
          %add3A_99 = arith.addf %scan3A_90, %gather3A_98 : vector<16xf32>
          %sub3A_100 = arith.subf %add3A_99, %masked_cumsum3A : vector<16xf32>
          %add3A_101 = arith.addf %sub3A_100, %get3A_94 : vector<16xf32>
          %swap3A = arith.index_cast %multiple_of3A : i32 to index
          %swap3A_102 = tpu.vector_load %arg4[%swap3A] {strides = array<i32>} : memref<32768xf32, #tpu.memory_space<vmem>>, vector<16xf32>,
          tpu.vector_store %arg4[%swap3A], %add3A_101 {strides = array<i32>} : memref<32768xf32, #tpu.memory_space<vmem>>, vector<16xf32>,
          %add3A_103 = arith.addf %scan3A_90, %gather3A_98 : vector<16xf32>
          %scan3A_104 = arith.constant 1 : i32
          %scan3A_105 = arith.addi %scan3A_89, %scan3A_104 : i32
          %sub3A_106 = arith.constant 2047 : i32
          %sub3A_107 = arith.subi %sub3A_106, %scan3A_105 : i32
          %mul3A_108 = arith.constant 16 : i32
          %mul3A_109 = arith.muli %sub3A_107, %mul3A_108 : i32
          %multiple_of3A_110 = tpu.assume_multiple %mul3A_109, 16 : i32
          %get3A_111 = arith.index_cast %multiple_of3A_110 : i32 to index
          %get3A_112 = tpu.vector_load %arg4[%get3A_111] {strides = array<i32>} : memref<32768xf32, #tpu.memory_space<vmem>>, vector<16xf32>,
          %broadcast_in_dim3A_113 = arith.constant true
          %broadcast_in_dim3A_114 = vector.broadcast %broadcast_in_dim3A_113 : i1 to vector<16xi1>
          %masked_cumsum3A_115 = tpu.scan <sum>, %get3A_112 masked %broadcast_in_dim3A_114 : vector<16xf32>, vector<16xi1> -> vector<16xf32>
          %broadcast_in_dim3A_116 = vector.shape_cast %broadcast_in_dim3A_3 : vector<16xi32> to vector<16x1xi32>
          %gather3A_117 = vector.shape_cast %broadcast_in_dim3A_116 : vector<16x1xi32> to vector<16xi32>
          %gather3A_118 = tpu.dynamic_gather %masked_cumsum3A_115[%gather3A_117] in [0] : vector<16xf32>, vector<16xi32> -> vector<16xf32>
          %add3A_119 = arith.addf %add3A_103, %gather3A_118 : vector<16xf32>
          %sub3A_120 = arith.subf %add3A_119, %masked_cumsum3A_115 : vector<16xf32>
          %add3A_121 = arith.addf %sub3A_120, %get3A_112 : vector<16xf32>
          %swap3A_122 = arith.index_cast %multiple_of3A_110 : i32 to index
          %swap3A_123 = tpu.vector_load %arg4[%swap3A_122] {strides = array<i32>} : memref<32768xf32, #tpu.memory_space<vmem>>, vector<16xf32>,
          tpu.vector_store %arg4[%swap3A_122], %add3A_121 {strides = array<i32>} : memref<32768xf32, #tpu.memory_space<vmem>>, vector<16xf32>,
          %add3A_124 = arith.addf %add3A_103, %gather3A_118 : vector<16xf32>
          %scan3A_125 = arith.constant 2 : i32
          %scan3A_126 = arith.addi %scan3A_89, %scan3A_125 : i32
          %sub3A_127 = arith.constant 2047 : i32
          %sub3A_128 = arith.subi %sub3A_127, %scan3A_126 : i32
          %mul3A_129 = arith.constant 16 : i32
          %mul3A_130 = arith.muli %sub3A_128, %mul3A_129 : i32
          %multiple_of3A_131 = tpu.assume_multiple %mul3A_130, 16 : i32
          %get3A_132 = arith.index_cast %multiple_of3A_131 : i32 to index
          %get3A_133 = tpu.vector_load %arg4[%get3A_132] {strides = array<i32>} : memref<32768xf32, #tpu.memory_space<vmem>>, vector<16xf32>,
          %broadcast_in_dim3A_134 = arith.constant true
          %broadcast_in_dim3A_135 = vector.broadcast %broadcast_in_dim3A_134 : i1 to vector<16xi1>
          %masked_cumsum3A_136 = tpu.scan <sum>, %get3A_133 masked %broadcast_in_dim3A_135 : vector<16xf32>, vector<16xi1> -> vector<16xf32>
          %broadcast_in_dim3A_137 = vector.shape_cast %broadcast_in_dim3A_3 : vector<16xi32> to vector<16x1xi32>
          %gather3A_138 = vector.shape_cast %broadcast_in_dim3A_137 : vector<16x1xi32> to vector<16xi32>
          %gather3A_139 = tpu.dynamic_gather %masked_cumsum3A_136[%gather3A_138] in [0] : vector<16xf32>, vector<16xi32> -> vector<16xf32>
          %add3A_140 = arith.addf %add3A_124, %gather3A_139 : vector<16xf32>
          %sub3A_141 = arith.subf %add3A_140, %masked_cumsum3A_136 : vector<16xf32>
          %add3A_142 = arith.addf %sub3A_141, %get3A_133 : vector<16xf32>
          %swap3A_143 = arith.index_cast %multiple_of3A_131 : i32 to index
          %swap3A_144 = tpu.vector_load %arg4[%swap3A_143] {strides = array<i32>} : memref<32768xf32, #tpu.memory_space<vmem>>, vector<16xf32>,
          tpu.vector_store %arg4[%swap3A_143], %add3A_142 {strides = array<i32>} : memref<32768xf32, #tpu.memory_space<vmem>>, vector<16xf32>,
          %add3A_145 = arith.addf %add3A_124, %gather3A_139 : vector<16xf32>
          %scan3A_146 = arith.constant 3 : i32
          %scan3A_147 = arith.addi %scan3A_89, %scan3A_146 : i32
          %sub3A_148 = arith.constant 2047 : i32
          %sub3A_149 = arith.subi %sub3A_148, %scan3A_147 : i32
          %mul3A_150 = arith.constant 16 : i32
          %mul3A_151 = arith.muli %sub3A_149, %mul3A_150 : i32
          %multiple_of3A_152 = tpu.assume_multiple %mul3A_151, 16 : i32
          %get3A_153 = arith.index_cast %multiple_of3A_152 : i32 to index
          %get3A_154 = tpu.vector_load %arg4[%get3A_153] {strides = array<i32>} : memref<32768xf32, #tpu.memory_space<vmem>>, vector<16xf32>,
          %broadcast_in_dim3A_155 = arith.constant true
          %broadcast_in_dim3A_156 = vector.broadcast %broadcast_in_dim3A_155 : i1 to vector<16xi1>
          %masked_cumsum3A_157 = tpu.scan <sum>, %get3A_154 masked %broadcast_in_dim3A_156 : vector<16xf32>, vector<16xi1> -> vector<16xf32>
          %broadcast_in_dim3A_158 = vector.shape_cast %broadcast_in_dim3A_3 : vector<16xi32> to vector<16x1xi32>
          %gather3A_159 = vector.shape_cast %broadcast_in_dim3A_158 : vector<16x1xi32> to vector<16xi32>
          %gather3A_160 = tpu.dynamic_gather %masked_cumsum3A_157[%gather3A_159] in [0] : vector<16xf32>, vector<16xi32> -> vector<16xf32>
          %add3A_161 = arith.addf %add3A_145, %gather3A_160 : vector<16xf32>
          %sub3A_162 = arith.subf %add3A_161, %masked_cumsum3A_157 : vector<16xf32>
          %add3A_163 = arith.addf %sub3A_162, %get3A_154 : vector<16xf32>
          %swap3A_164 = arith.index_cast %multiple_of3A_152 : i32 to index
          %swap3A_165 = tpu.vector_load %arg4[%swap3A_164] {strides = array<i32>} : memref<32768xf32, #tpu.memory_space<vmem>>, vector<16xf32>,
          tpu.vector_store %arg4[%swap3A_164], %add3A_163 {strides = array<i32>} : memref<32768xf32, #tpu.memory_space<vmem>>, vector<16xf32>,
          %add3A_166 = arith.addf %add3A_145, %gather3A_160 : vector<16xf32>
          %scan3A_167 = arith.constant 4 : i32
          %scan3A_168 = arith.addi %scan3A_89, %scan3A_167 : i32
          %sub3A_169 = arith.constant 2047 : i32
          %sub3A_170 = arith.subi %sub3A_169, %scan3A_168 : i32
          %mul3A_171 = arith.constant 16 : i32
          %mul3A_172 = arith.muli %sub3A_170, %mul3A_171 : i32
          %multiple_of3A_173 = tpu.assume_multiple %mul3A_172, 16 : i32
          %get3A_174 = arith.index_cast %multiple_of3A_173 : i32 to index
          %get3A_175 = tpu.vector_load %arg4[%get3A_174] {strides = array<i32>} : memref<32768xf32, #tpu.memory_space<vmem>>, vector<16xf32>,
          %broadcast_in_dim3A_176 = arith.constant true
          %broadcast_in_dim3A_177 = vector.broadcast %broadcast_in_dim3A_176 : i1 to vector<16xi1>
          %masked_cumsum3A_178 = tpu.scan <sum>, %get3A_175 masked %broadcast_in_dim3A_177 : vector<16xf32>, vector<16xi1> -> vector<16xf32>
          %broadcast_in_dim3A_179 = vector.shape_cast %broadcast_in_dim3A_3 : vector<16xi32> to vector<16x1xi32>
          %gather3A_180 = vector.shape_cast %broadcast_in_dim3A_179 : vector<16x1xi32> to vector<16xi32>
          %gather3A_181 = tpu.dynamic_gather %masked_cumsum3A_178[%gather3A_180] in [0] : vector<16xf32>, vector<16xi32> -> vector<16xf32>
          %add3A_182 = arith.addf %add3A_166, %gather3A_181 : vector<16xf32>
          %sub3A_183 = arith.subf %add3A_182, %masked_cumsum3A_178 : vector<16xf32>
          %add3A_184 = arith.addf %sub3A_183, %get3A_175 : vector<16xf32>
          %swap3A_185 = arith.index_cast %multiple_of3A_173 : i32 to index
          %swap3A_186 = tpu.vector_load %arg4[%swap3A_185] {strides = array<i32>} : memref<32768xf32, #tpu.memory_space<vmem>>, vector<16xf32>,
          tpu.vector_store %arg4[%swap3A_185], %add3A_184 {strides = array<i32>} : memref<32768xf32, #tpu.memory_space<vmem>>, vector<16xf32>,
          %add3A_187 = arith.addf %add3A_166, %gather3A_181 : vector<16xf32>
          %scan3A_188 = arith.constant 5 : i32
          %scan3A_189 = arith.addi %scan3A_89, %scan3A_188 : i32
          %sub3A_190 = arith.constant 2047 : i32
          %sub3A_191 = arith.subi %sub3A_190, %scan3A_189 : i32
          %mul3A_192 = arith.constant 16 : i32
          %mul3A_193 = arith.muli %sub3A_191, %mul3A_192 : i32
          %multiple_of3A_194 = tpu.assume_multiple %mul3A_193, 16 : i32
          %get3A_195 = arith.index_cast %multiple_of3A_194 : i32 to index
          %get3A_196 = tpu.vector_load %arg4[%get3A_195] {strides = array<i32>} : memref<32768xf32, #tpu.memory_space<vmem>>, vector<16xf32>,
          %broadcast_in_dim3A_197 = arith.constant true
          %broadcast_in_dim3A_198 = vector.broadcast %broadcast_in_dim3A_197 : i1 to vector<16xi1>
          %masked_cumsum3A_199 = tpu.scan <sum>, %get3A_196 masked %broadcast_in_dim3A_198 : vector<16xf32>, vector<16xi1> -> vector<16xf32>
          %broadcast_in_dim3A_200 = vector.shape_cast %broadcast_in_dim3A_3 : vector<16xi32> to vector<16x1xi32>
          %gather3A_201 = vector.shape_cast %broadcast_in_dim3A_200 : vector<16x1xi32> to vector<16xi32>
          %gather3A_202 = tpu.dynamic_gather %masked_cumsum3A_199[%gather3A_201] in [0] : vector<16xf32>, vector<16xi32> -> vector<16xf32>
          %add3A_203 = arith.addf %add3A_187, %gather3A_202 : vector<16xf32>
          %sub3A_204 = arith.subf %add3A_203, %masked_cumsum3A_199 : vector<16xf32>
          %add3A_205 = arith.addf %sub3A_204, %get3A_196 : vector<16xf32>
          %swap3A_206 = arith.index_cast %multiple_of3A_194 : i32 to index
          %swap3A_207 = tpu.vector_load %arg4[%swap3A_206] {strides = array<i32>} : memref<32768xf32, #tpu.memory_space<vmem>>, vector<16xf32>,
          tpu.vector_store %arg4[%swap3A_206], %add3A_205 {strides = array<i32>} : memref<32768xf32, #tpu.memory_space<vmem>>, vector<16xf32>,
          %add3A_208 = arith.addf %add3A_187, %gather3A_202 : vector<16xf32>
          %scan3A_209 = arith.constant 6 : i32
          %scan3A_210 = arith.addi %scan3A_89, %scan3A_209 : i32
          %sub3A_211 = arith.constant 2047 : i32
          %sub3A_212 = arith.subi %sub3A_211, %scan3A_210 : i32
          %mul3A_213 = arith.constant 16 : i32
          %mul3A_214 = arith.muli %sub3A_212, %mul3A_213 : i32
          %multiple_of3A_215 = tpu.assume_multiple %mul3A_214, 16 : i32
          %get3A_216 = arith.index_cast %multiple_of3A_215 : i32 to index
          %get3A_217 = tpu.vector_load %arg4[%get3A_216] {strides = array<i32>} : memref<32768xf32, #tpu.memory_space<vmem>>, vector<16xf32>,
          %broadcast_in_dim3A_218 = arith.constant true
          %broadcast_in_dim3A_219 = vector.broadcast %broadcast_in_dim3A_218 : i1 to vector<16xi1>
          %masked_cumsum3A_220 = tpu.scan <sum>, %get3A_217 masked %broadcast_in_dim3A_219 : vector<16xf32>, vector<16xi1> -> vector<16xf32>
          %broadcast_in_dim3A_221 = vector.shape_cast %broadcast_in_dim3A_3 : vector<16xi32> to vector<16x1xi32>
          %gather3A_222 = vector.shape_cast %broadcast_in_dim3A_221 : vector<16x1xi32> to vector<16xi32>
          %gather3A_223 = tpu.dynamic_gather %masked_cumsum3A_220[%gather3A_222] in [0] : vector<16xf32>, vector<16xi32> -> vector<16xf32>
          %add3A_224 = arith.addf %add3A_208, %gather3A_223 : vector<16xf32>
          %sub3A_225 = arith.subf %add3A_224, %masked_cumsum3A_220 : vector<16xf32>
          %add3A_226 = arith.addf %sub3A_225, %get3A_217 : vector<16xf32>
          %swap3A_227 = arith.index_cast %multiple_of3A_215 : i32 to index
          %swap3A_228 = tpu.vector_load %arg4[%swap3A_227] {strides = array<i32>} : memref<32768xf32, #tpu.memory_space<vmem>>, vector<16xf32>,
          tpu.vector_store %arg4[%swap3A_227], %add3A_226 {strides = array<i32>} : memref<32768xf32, #tpu.memory_space<vmem>>, vector<16xf32>,
          %add3A_229 = arith.addf %add3A_208, %gather3A_223 : vector<16xf32>
          %scan3A_230 = arith.constant 7 : i32
          %scan3A_231 = arith.addi %scan3A_89, %scan3A_230 : i32
          %sub3A_232 = arith.constant 2047 : i32
          %sub3A_233 = arith.subi %sub3A_232, %scan3A_231 : i32
          %mul3A_234 = arith.constant 16 : i32
          %mul3A_235 = arith.muli %sub3A_233, %mul3A_234 : i32
          %multiple_of3A_236 = tpu.assume_multiple %mul3A_235, 16 : i32
          %get3A_237 = arith.index_cast %multiple_of3A_236 : i32 to index
          %get3A_238 = tpu.vector_load %arg4[%get3A_237] {strides = array<i32>} : memref<32768xf32, #tpu.memory_space<vmem>>, vector<16xf32>,
          %broadcast_in_dim3A_239 = arith.constant true
          %broadcast_in_dim3A_240 = vector.broadcast %broadcast_in_dim3A_239 : i1 to vector<16xi1>
          %masked_cumsum3A_241 = tpu.scan <sum>, %get3A_238 masked %broadcast_in_dim3A_240 : vector<16xf32>, vector<16xi1> -> vector<16xf32>
          %broadcast_in_dim3A_242 = vector.shape_cast %broadcast_in_dim3A_3 : vector<16xi32> to vector<16x1xi32>
          %gather3A_243 = vector.shape_cast %broadcast_in_dim3A_242 : vector<16x1xi32> to vector<16xi32>
          %gather3A_244 = tpu.dynamic_gather %masked_cumsum3A_241[%gather3A_243] in [0] : vector<16xf32>, vector<16xi32> -> vector<16xf32>
          %add3A_245 = arith.addf %add3A_229, %gather3A_244 : vector<16xf32>
          %sub3A_246 = arith.subf %add3A_245, %masked_cumsum3A_241 : vector<16xf32>
          %add3A_247 = arith.addf %sub3A_246, %get3A_238 : vector<16xf32>
          %swap3A_248 = arith.index_cast %multiple_of3A_236 : i32 to index
          %swap3A_249 = tpu.vector_load %arg4[%swap3A_248] {strides = array<i32>} : memref<32768xf32, #tpu.memory_space<vmem>>, vector<16xf32>,
          tpu.vector_store %arg4[%swap3A_248], %add3A_247 {strides = array<i32>} : memref<32768xf32, #tpu.memory_space<vmem>>, vector<16xf32>,
          %add3A_250 = arith.addf %add3A_229, %gather3A_244 : vector<16xf32>
          %scan3A_251 = arith.constant 8 : i32
          %scan3A_252 = arith.addi %scan3A_89, %scan3A_251 : i32
          %sub3A_253 = arith.constant 2047 : i32
          %sub3A_254 = arith.subi %sub3A_253, %scan3A_252 : i32
          %mul3A_255 = arith.constant 16 : i32
          %mul3A_256 = arith.muli %sub3A_254, %mul3A_255 : i32
          %multiple_of3A_257 = tpu.assume_multiple %mul3A_256, 16 : i32
          %get3A_258 = arith.index_cast %multiple_of3A_257 : i32 to index
          %get3A_259 = tpu.vector_load %arg4[%get3A_258] {strides = array<i32>} : memref<32768xf32, #tpu.memory_space<vmem>>, vector<16xf32>,
          %broadcast_in_dim3A_260 = arith.constant true
          %broadcast_in_dim3A_261 = vector.broadcast %broadcast_in_dim3A_260 : i1 to vector<16xi1>
          %masked_cumsum3A_262 = tpu.scan <sum>, %get3A_259 masked %broadcast_in_dim3A_261 : vector<16xf32>, vector<16xi1> -> vector<16xf32>
          %broadcast_in_dim3A_263 = vector.shape_cast %broadcast_in_dim3A_3 : vector<16xi32> to vector<16x1xi32>
          %gather3A_264 = vector.shape_cast %broadcast_in_dim3A_263 : vector<16x1xi32> to vector<16xi32>
          %gather3A_265 = tpu.dynamic_gather %masked_cumsum3A_262[%gather3A_264] in [0] : vector<16xf32>, vector<16xi32> -> vector<16xf32>
          %add3A_266 = arith.addf %add3A_250, %gather3A_265 : vector<16xf32>
          %sub3A_267 = arith.subf %add3A_266, %masked_cumsum3A_262 : vector<16xf32>
          %add3A_268 = arith.addf %sub3A_267, %get3A_259 : vector<16xf32>
          %swap3A_269 = arith.index_cast %multiple_of3A_257 : i32 to index
          %swap3A_270 = tpu.vector_load %arg4[%swap3A_269] {strides = array<i32>} : memref<32768xf32, #tpu.memory_space<vmem>>, vector<16xf32>,
          tpu.vector_store %arg4[%swap3A_269], %add3A_268 {strides = array<i32>} : memref<32768xf32, #tpu.memory_space<vmem>>, vector<16xf32>,
          %add3A_271 = arith.addf %add3A_250, %gather3A_265 : vector<16xf32>
          %scan3A_272 = arith.constant 9 : i32
          %scan3A_273 = arith.addi %scan3A_89, %scan3A_272 : i32
          %sub3A_274 = arith.constant 2047 : i32
          %sub3A_275 = arith.subi %sub3A_274, %scan3A_273 : i32
          %mul3A_276 = arith.constant 16 : i32
          %mul3A_277 = arith.muli %sub3A_275, %mul3A_276 : i32
          %multiple_of3A_278 = tpu.assume_multiple %mul3A_277, 16 : i32
          %get3A_279 = arith.index_cast %multiple_of3A_278 : i32 to index
          %get3A_280 = tpu.vector_load %arg4[%get3A_279] {strides = array<i32>} : memref<32768xf32, #tpu.memory_space<vmem>>, vector<16xf32>,
          %broadcast_in_dim3A_281 = arith.constant true
          %broadcast_in_dim3A_282 = vector.broadcast %broadcast_in_dim3A_281 : i1 to vector<16xi1>
          %masked_cumsum3A_283 = tpu.scan <sum>, %get3A_280 masked %broadcast_in_dim3A_282 : vector<16xf32>, vector<16xi1> -> vector<16xf32>
          %broadcast_in_dim3A_284 = vector.shape_cast %broadcast_in_dim3A_3 : vector<16xi32> to vector<16x1xi32>
          %gather3A_285 = vector.shape_cast %broadcast_in_dim3A_284 : vector<16x1xi32> to vector<16xi32>
          %gather3A_286 = tpu.dynamic_gather %masked_cumsum3A_283[%gather3A_285] in [0] : vector<16xf32>, vector<16xi32> -> vector<16xf32>
          %add3A_287 = arith.addf %add3A_271, %gather3A_286 : vector<16xf32>
          %sub3A_288 = arith.subf %add3A_287, %masked_cumsum3A_283 : vector<16xf32>
          %add3A_289 = arith.addf %sub3A_288, %get3A_280 : vector<16xf32>
          %swap3A_290 = arith.index_cast %multiple_of3A_278 : i32 to index
          %swap3A_291 = tpu.vector_load %arg4[%swap3A_290] {strides = array<i32>} : memref<32768xf32, #tpu.memory_space<vmem>>, vector<16xf32>,
          tpu.vector_store %arg4[%swap3A_290], %add3A_289 {strides = array<i32>} : memref<32768xf32, #tpu.memory_space<vmem>>, vector<16xf32>,
          %add3A_292 = arith.addf %add3A_271, %gather3A_286 : vector<16xf32>
          %scan3A_293 = arith.constant 10 : i32
          %scan3A_294 = arith.addi %scan3A_89, %scan3A_293 : i32
          %sub3A_295 = arith.constant 2047 : i32
          %sub3A_296 = arith.subi %sub3A_295, %scan3A_294 : i32
          %mul3A_297 = arith.constant 16 : i32
          %mul3A_298 = arith.muli %sub3A_296, %mul3A_297 : i32
          %multiple_of3A_299 = tpu.assume_multiple %mul3A_298, 16 : i32
          %get3A_300 = arith.index_cast %multiple_of3A_299 : i32 to index
          %get3A_301 = tpu.vector_load %arg4[%get3A_300] {strides = array<i32>} : memref<32768xf32, #tpu.memory_space<vmem>>, vector<16xf32>,
          %broadcast_in_dim3A_302 = arith.constant true
          %broadcast_in_dim3A_303 = vector.broadcast %broadcast_in_dim3A_302 : i1 to vector<16xi1>
          %masked_cumsum3A_304 = tpu.scan <sum>, %get3A_301 masked %broadcast_in_dim3A_303 : vector<16xf32>, vector<16xi1> -> vector<16xf32>
          %broadcast_in_dim3A_305 = vector.shape_cast %broadcast_in_dim3A_3 : vector<16xi32> to vector<16x1xi32>
          %gather3A_306 = vector.shape_cast %broadcast_in_dim3A_305 : vector<16x1xi32> to vector<16xi32>
          %gather3A_307 = tpu.dynamic_gather %masked_cumsum3A_304[%gather3A_306] in [0] : vector<16xf32>, vector<16xi32> -> vector<16xf32>
          %add3A_308 = arith.addf %add3A_292, %gather3A_307 : vector<16xf32>
          %sub3A_309 = arith.subf %add3A_308, %masked_cumsum3A_304 : vector<16xf32>
          %add3A_310 = arith.addf %sub3A_309, %get3A_301 : vector<16xf32>
          %swap3A_311 = arith.index_cast %multiple_of3A_299 : i32 to index
          %swap3A_312 = tpu.vector_load %arg4[%swap3A_311] {strides = array<i32>} : memref<32768xf32, #tpu.memory_space<vmem>>, vector<16xf32>,
          tpu.vector_store %arg4[%swap3A_311], %add3A_310 {strides = array<i32>} : memref<32768xf32, #tpu.memory_space<vmem>>, vector<16xf32>,
          %add3A_313 = arith.addf %add3A_292, %gather3A_307 : vector<16xf32>
          %scan3A_314 = arith.constant 11 : i32
          %scan3A_315 = arith.addi %scan3A_89, %scan3A_314 : i32
          %sub3A_316 = arith.constant 2047 : i32
          %sub3A_317 = arith.subi %sub3A_316, %scan3A_315 : i32
          %mul3A_318 = arith.constant 16 : i32
          %mul3A_319 = arith.muli %sub3A_317, %mul3A_318 : i32
          %multiple_of3A_320 = tpu.assume_multiple %mul3A_319, 16 : i32
          %get3A_321 = arith.index_cast %multiple_of3A_320 : i32 to index
          %get3A_322 = tpu.vector_load %arg4[%get3A_321] {strides = array<i32>} : memref<32768xf32, #tpu.memory_space<vmem>>, vector<16xf32>,
          %broadcast_in_dim3A_323 = arith.constant true
          %broadcast_in_dim3A_324 = vector.broadcast %broadcast_in_dim3A_323 : i1 to vector<16xi1>
          %masked_cumsum3A_325 = tpu.scan <sum>, %get3A_322 masked %broadcast_in_dim3A_324 : vector<16xf32>, vector<16xi1> -> vector<16xf32>
          %broadcast_in_dim3A_326 = vector.shape_cast %broadcast_in_dim3A_3 : vector<16xi32> to vector<16x1xi32>
          %gather3A_327 = vector.shape_cast %broadcast_in_dim3A_326 : vector<16x1xi32> to vector<16xi32>
          %gather3A_328 = tpu.dynamic_gather %masked_cumsum3A_325[%gather3A_327] in [0] : vector<16xf32>, vector<16xi32> -> vector<16xf32>
          %add3A_329 = arith.addf %add3A_313, %gather3A_328 : vector<16xf32>
          %sub3A_330 = arith.subf %add3A_329, %masked_cumsum3A_325 : vector<16xf32>
          %add3A_331 = arith.addf %sub3A_330, %get3A_322 : vector<16xf32>
          %swap3A_332 = arith.index_cast %multiple_of3A_320 : i32 to index
          %swap3A_333 = tpu.vector_load %arg4[%swap3A_332] {strides = array<i32>} : memref<32768xf32, #tpu.memory_space<vmem>>, vector<16xf32>,
          tpu.vector_store %arg4[%swap3A_332], %add3A_331 {strides = array<i32>} : memref<32768xf32, #tpu.memory_space<vmem>>, vector<16xf32>,
          %add3A_334 = arith.addf %add3A_313, %gather3A_328 : vector<16xf32>
          %scan3A_335 = arith.constant 12 : i32
          %scan3A_336 = arith.addi %scan3A_89, %scan3A_335 : i32
          %sub3A_337 = arith.constant 2047 : i32
          %sub3A_338 = arith.subi %sub3A_337, %scan3A_336 : i32
          %mul3A_339 = arith.constant 16 : i32
          %mul3A_340 = arith.muli %sub3A_338, %mul3A_339 : i32
          %multiple_of3A_341 = tpu.assume_multiple %mul3A_340, 16 : i32
          %get3A_342 = arith.index_cast %multiple_of3A_341 : i32 to index
          %get3A_343 = tpu.vector_load %arg4[%get3A_342] {strides = array<i32>} : memref<32768xf32, #tpu.memory_space<vmem>>, vector<16xf32>,
          %broadcast_in_dim3A_344 = arith.constant true
          %broadcast_in_dim3A_345 = vector.broadcast %broadcast_in_dim3A_344 : i1 to vector<16xi1>
          %masked_cumsum3A_346 = tpu.scan <sum>, %get3A_343 masked %broadcast_in_dim3A_345 : vector<16xf32>, vector<16xi1> -> vector<16xf32>
          %broadcast_in_dim3A_347 = vector.shape_cast %broadcast_in_dim3A_3 : vector<16xi32> to vector<16x1xi32>
          %gather3A_348 = vector.shape_cast %broadcast_in_dim3A_347 : vector<16x1xi32> to vector<16xi32>
          %gather3A_349 = tpu.dynamic_gather %masked_cumsum3A_346[%gather3A_348] in [0] : vector<16xf32>, vector<16xi32> -> vector<16xf32>
          %add3A_350 = arith.addf %add3A_334, %gather3A_349 : vector<16xf32>
          %sub3A_351 = arith.subf %add3A_350, %masked_cumsum3A_346 : vector<16xf32>
          %add3A_352 = arith.addf %sub3A_351, %get3A_343 : vector<16xf32>
          %swap3A_353 = arith.index_cast %multiple_of3A_341 : i32 to index
          %swap3A_354 = tpu.vector_load %arg4[%swap3A_353] {strides = array<i32>} : memref<32768xf32, #tpu.memory_space<vmem>>, vector<16xf32>,
          tpu.vector_store %arg4[%swap3A_353], %add3A_352 {strides = array<i32>} : memref<32768xf32, #tpu.memory_space<vmem>>, vector<16xf32>,
          %add3A_355 = arith.addf %add3A_334, %gather3A_349 : vector<16xf32>
          %scan3A_356 = arith.constant 13 : i32
          %scan3A_357 = arith.addi %scan3A_89, %scan3A_356 : i32
          %sub3A_358 = arith.constant 2047 : i32
          %sub3A_359 = arith.subi %sub3A_358, %scan3A_357 : i32
          %mul3A_360 = arith.constant 16 : i32
          %mul3A_361 = arith.muli %sub3A_359, %mul3A_360 : i32
          %multiple_of3A_362 = tpu.assume_multiple %mul3A_361, 16 : i32
          %get3A_363 = arith.index_cast %multiple_of3A_362 : i32 to index
          %get3A_364 = tpu.vector_load %arg4[%get3A_363] {strides = array<i32>} : memref<32768xf32, #tpu.memory_space<vmem>>, vector<16xf32>,
          %broadcast_in_dim3A_365 = arith.constant true
          %broadcast_in_dim3A_366 = vector.broadcast %broadcast_in_dim3A_365 : i1 to vector<16xi1>
          %masked_cumsum3A_367 = tpu.scan <sum>, %get3A_364 masked %broadcast_in_dim3A_366 : vector<16xf32>, vector<16xi1> -> vector<16xf32>
          %broadcast_in_dim3A_368 = vector.shape_cast %broadcast_in_dim3A_3 : vector<16xi32> to vector<16x1xi32>
          %gather3A_369 = vector.shape_cast %broadcast_in_dim3A_368 : vector<16x1xi32> to vector<16xi32>
          %gather3A_370 = tpu.dynamic_gather %masked_cumsum3A_367[%gather3A_369] in [0] : vector<16xf32>, vector<16xi32> -> vector<16xf32>
          %add3A_371 = arith.addf %add3A_355, %gather3A_370 : vector<16xf32>
          %sub3A_372 = arith.subf %add3A_371, %masked_cumsum3A_367 : vector<16xf32>
          %add3A_373 = arith.addf %sub3A_372, %get3A_364 : vector<16xf32>
          %swap3A_374 = arith.index_cast %multiple_of3A_362 : i32 to index
          %swap3A_375 = tpu.vector_load %arg4[%swap3A_374] {strides = array<i32>} : memref<32768xf32, #tpu.memory_space<vmem>>, vector<16xf32>,
          tpu.vector_store %arg4[%swap3A_374], %add3A_373 {strides = array<i32>} : memref<32768xf32, #tpu.memory_space<vmem>>, vector<16xf32>,
          %add3A_376 = arith.addf %add3A_355, %gather3A_370 : vector<16xf32>
          %scan3A_377 = arith.constant 14 : i32
          %scan3A_378 = arith.addi %scan3A_89, %scan3A_377 : i32
          %sub3A_379 = arith.constant 2047 : i32
          %sub3A_380 = arith.subi %sub3A_379, %scan3A_378 : i32
          %mul3A_381 = arith.constant 16 : i32
          %mul3A_382 = arith.muli %sub3A_380, %mul3A_381 : i32
          %multiple_of3A_383 = tpu.assume_multiple %mul3A_382, 16 : i32
          %get3A_384 = arith.index_cast %multiple_of3A_383 : i32 to index
          %get3A_385 = tpu.vector_load %arg4[%get3A_384] {strides = array<i32>} : memref<32768xf32, #tpu.memory_space<vmem>>, vector<16xf32>,
          %broadcast_in_dim3A_386 = arith.constant true
          %broadcast_in_dim3A_387 = vector.broadcast %broadcast_in_dim3A_386 : i1 to vector<16xi1>
          %masked_cumsum3A_388 = tpu.scan <sum>, %get3A_385 masked %broadcast_in_dim3A_387 : vector<16xf32>, vector<16xi1> -> vector<16xf32>
          %broadcast_in_dim3A_389 = vector.shape_cast %broadcast_in_dim3A_3 : vector<16xi32> to vector<16x1xi32>
          %gather3A_390 = vector.shape_cast %broadcast_in_dim3A_389 : vector<16x1xi32> to vector<16xi32>
          %gather3A_391 = tpu.dynamic_gather %masked_cumsum3A_388[%gather3A_390] in [0] : vector<16xf32>, vector<16xi32> -> vector<16xf32>
          %add3A_392 = arith.addf %add3A_376, %gather3A_391 : vector<16xf32>
          %sub3A_393 = arith.subf %add3A_392, %masked_cumsum3A_388 : vector<16xf32>
          %add3A_394 = arith.addf %sub3A_393, %get3A_385 : vector<16xf32>
          %swap3A_395 = arith.index_cast %multiple_of3A_383 : i32 to index
          %swap3A_396 = tpu.vector_load %arg4[%swap3A_395] {strides = array<i32>} : memref<32768xf32, #tpu.memory_space<vmem>>, vector<16xf32>,
          tpu.vector_store %arg4[%swap3A_395], %add3A_394 {strides = array<i32>} : memref<32768xf32, #tpu.memory_space<vmem>>, vector<16xf32>,
          %add3A_397 = arith.addf %add3A_376, %gather3A_391 : vector<16xf32>
          %scan3A_398 = arith.constant 15 : i32
          %scan3A_399 = arith.addi %scan3A_89, %scan3A_398 : i32
          %sub3A_400 = arith.constant 2047 : i32
          %sub3A_401 = arith.subi %sub3A_400, %scan3A_399 : i32
          %mul3A_402 = arith.constant 16 : i32
          %mul3A_403 = arith.muli %sub3A_401, %mul3A_402 : i32
          %multiple_of3A_404 = tpu.assume_multiple %mul3A_403, 16 : i32
          %get3A_405 = arith.index_cast %multiple_of3A_404 : i32 to index
          %get3A_406 = tpu.vector_load %arg4[%get3A_405] {strides = array<i32>} : memref<32768xf32, #tpu.memory_space<vmem>>, vector<16xf32>,
          %broadcast_in_dim3A_407 = arith.constant true
          %broadcast_in_dim3A_408 = vector.broadcast %broadcast_in_dim3A_407 : i1 to vector<16xi1>
          %masked_cumsum3A_409 = tpu.scan <sum>, %get3A_406 masked %broadcast_in_dim3A_408 : vector<16xf32>, vector<16xi1> -> vector<16xf32>
          %broadcast_in_dim3A_410 = vector.shape_cast %broadcast_in_dim3A_3 : vector<16xi32> to vector<16x1xi32>
          %gather3A_411 = vector.shape_cast %broadcast_in_dim3A_410 : vector<16x1xi32> to vector<16xi32>
          %gather3A_412 = tpu.dynamic_gather %masked_cumsum3A_409[%gather3A_411] in [0] : vector<16xf32>, vector<16xi32> -> vector<16xf32>
          %add3A_413 = arith.addf %add3A_397, %gather3A_412 : vector<16xf32>
          %sub3A_414 = arith.subf %add3A_413, %masked_cumsum3A_409 : vector<16xf32>
          %add3A_415 = arith.addf %sub3A_414, %get3A_406 : vector<16xf32>
          %swap3A_416 = arith.index_cast %multiple_of3A_404 : i32 to index
          %swap3A_417 = tpu.vector_load %arg4[%swap3A_416] {strides = array<i32>} : memref<32768xf32, #tpu.memory_space<vmem>>, vector<16xf32>,
          tpu.vector_store %arg4[%swap3A_416], %add3A_415 {strides = array<i32>} : memref<32768xf32, #tpu.memory_space<vmem>>, vector<16xf32>,
          %add3A_418 = arith.addf %add3A_397, %gather3A_412 : vector<16xf32>
          scf.yield %add3A_418 : vector<16xf32>
        }
        %scan3A_81 = arith.constant 2048 : i32
        %add3A_82 = arith.addi %mul3A_2, %add3A_39 : i32
        %dma_start3A_83 = arith.constant 0 : i32
        %dma_start3A_84 = tpu.memref_slice %arg3[%add3A_82, %dma_start3A_83] : memref<1024x32768xf32, #tpu.memory_space<hbm>> -> memref<1x32768xf32, #tpu.memory_space<hbm>>
        %dma_start3A_85 = tpu.memref_squeeze %dma_start3A_84 : memref<1x32768xf32, #tpu.memory_space<hbm>> -> memref<32768xf32, #tpu.memory_space<hbm>>
        %dma_start3A_86 = arith.constant 0 : i32
        %dma_start3A_87 = tpu.memref_slice %arg3[%add3A_82, %dma_start3A_86] : memref<1024x32768xf32, #tpu.memory_space<hbm>> -> memref<1x32768xf32, #tpu.memory_space<hbm>>
        %dma_start3A_88 = tpu.memref_squeeze %dma_start3A_87 : memref<1x32768xf32, #tpu.memory_space<hbm>> -> memref<32768xf32, #tpu.memory_space<hbm>>
        tpu.enqueue_dma source(%arg4 : memref<32768xf32, #tpu.memory_space<vmem>>) target(%dma_start3A_88 : memref<32768xf32, #tpu.memory_space<hbm>>) target_semaphore(%arg10 : memref<!tpu.dma_semaphore, #tpu.memory_space<semaphore_mem>>)
      } else {
      }
      %mul3A_42 = arith.constant 3 : i32
      %mul3A_43 = arith.muli %scan3A_34, %mul3A_42 : i32
      %add3A_44 = arith.constant 1 : i32
      %add3A_45 = arith.addi %mul3A_43, %add3A_44 : i32
      %lt3A_46 = arith.constant 32 : i32
      %lt3A_47 = arith.cmpi slt, %add3A_45, %lt3A_46 : i32
      %convert_element_type3A_48 = arith.extui %lt3A_47 : i1 to i32
      %cond3A_49 = arith.constant 0 : i32
      %cond3A_50 = arith.cmpi ne, %convert_element_type3A_48, %cond3A_49 : i32
      scf.if %cond3A_50 {
        %dma_wait3A_61 = arith.constant 0 : i32
        %dma_wait3A_62 = tpu.memref_slice %arg2[%mul3A_2, %dma_wait3A_61] : memref<1024x32768xf32, #tpu.memory_space<hbm>> -> memref<1x32768xf32, #tpu.memory_space<hbm>>
        %dma_wait3A_63 = tpu.memref_squeeze %dma_wait3A_62 : memref<1x32768xf32, #tpu.memory_space<hbm>> -> memref<32768xf32, #tpu.memory_space<hbm>>
        %dma_wait3A_64 = arith.constant 0 : i32
        %dma_wait3A_65 = tpu.memref_slice %arg2[%mul3A_2, %dma_wait3A_64] : memref<1024x32768xf32, #tpu.memory_space<hbm>> -> memref<1x32768xf32, #tpu.memory_space<hbm>>
        %dma_wait3A_66 = tpu.memref_squeeze %dma_wait3A_65 : memref<1x32768xf32, #tpu.memory_space<hbm>> -> memref<32768xf32, #tpu.memory_space<hbm>>
        tpu.wait_dma2 semaphore(%arg8 : memref<!tpu.dma_semaphore, #tpu.memory_space<semaphore_mem>>) src(%dma_wait3A_66 : memref<32768xf32, #tpu.memory_space<hbm>>) dst(%arg5 : memref<32768xf32, #tpu.memory_space<vmem>>)
        %add3A_67 = arith.constant 1 : i32
        %add3A_68 = arith.addi %add3A_45, %add3A_67 : i32
        %lt3A_69 = arith.constant 32 : i32
        %lt3A_70 = arith.cmpi slt, %add3A_68, %lt3A_69 : i32
        %convert_element_type3A_71 = arith.extui %lt3A_70 : i1 to i32
        %cond3A_72 = arith.constant 0 : i32
        %cond3A_73 = arith.cmpi ne, %convert_element_type3A_71, %cond3A_72 : i32
        scf.if %cond3A_73 {
          %add3A_89 = arith.constant 1 : i32
          %add3A_90 = arith.addi %add3A_45, %add3A_89 : i32
          %sub3A = arith.constant 3 : i32
          %sub3A_91 = arith.subi %add3A_90, %sub3A : i32
          %ge3A = arith.constant 0 : i32
          %ge3A_92 = arith.cmpi sge, %sub3A_91, %ge3A : i32
          %convert_element_type3A_93 = arith.extui %ge3A_92 : i1 to i32
          %cond3A_94 = arith.constant 0 : i32
          %cond3A_95 = arith.cmpi ne, %convert_element_type3A_93, %cond3A_94 : i32
          scf.if %cond3A_95 {
            %dma_wait3A_105 = arith.constant 0 : i32
            %dma_wait3A_106 = tpu.memref_slice %arg3[%mul3A_2, %dma_wait3A_105] : memref<1024x32768xf32, #tpu.memory_space<hbm>> -> memref<1x32768xf32, #tpu.memory_space<hbm>>
            %dma_wait3A_107 = tpu.memref_squeeze %dma_wait3A_106 : memref<1x32768xf32, #tpu.memory_space<hbm>> -> memref<32768xf32, #tpu.memory_space<hbm>>
            %dma_wait3A_108 = arith.constant 0 : i32
            %dma_wait3A_109 = tpu.memref_slice %arg3[%mul3A_2, %dma_wait3A_108] : memref<1024x32768xf32, #tpu.memory_space<hbm>> -> memref<1x32768xf32, #tpu.memory_space<hbm>>
            %dma_wait3A_110 = tpu.memref_squeeze %dma_wait3A_109 : memref<1x32768xf32, #tpu.memory_space<hbm>> -> memref<32768xf32, #tpu.memory_space<hbm>>
            tpu.wait_dma2 semaphore(%arg12 : memref<!tpu.dma_semaphore, #tpu.memory_space<semaphore_mem>>) src(%arg6 : memref<32768xf32, #tpu.memory_space<vmem>>) dst(%dma_wait3A_110 : memref<32768xf32, #tpu.memory_space<hbm>>)
          } else {
          }
          %add3A_96 = arith.constant 1 : i32
          %add3A_97 = arith.addi %add3A_45, %add3A_96 : i32
          %add3A_98 = arith.addi %mul3A_2, %add3A_97 : i32
          %dma_start3A_99 = arith.constant 0 : i32
          %dma_start3A_100 = tpu.memref_slice %arg2[%add3A_98, %dma_start3A_99] : memref<1024x32768xf32, #tpu.memory_space<hbm>> -> memref<1x32768xf32, #tpu.memory_space<hbm>>
          %dma_start3A_101 = tpu.memref_squeeze %dma_start3A_100 : memref<1x32768xf32, #tpu.memory_space<hbm>> -> memref<32768xf32, #tpu.memory_space<hbm>>
          %dma_start3A_102 = arith.constant 0 : i32
          %dma_start3A_103 = tpu.memref_slice %arg2[%add3A_98, %dma_start3A_102] : memref<1024x32768xf32, #tpu.memory_space<hbm>> -> memref<1x32768xf32, #tpu.memory_space<hbm>>
          %dma_start3A_104 = tpu.memref_squeeze %dma_start3A_103 : memref<1x32768xf32, #tpu.memory_space<hbm>> -> memref<32768xf32, #tpu.memory_space<hbm>>
          tpu.enqueue_dma source(%dma_start3A_104 : memref<32768xf32, #tpu.memory_space<hbm>>) target(%arg6 : memref<32768xf32, #tpu.memory_space<vmem>>) target_semaphore(%arg9 : memref<!tpu.dma_semaphore, #tpu.memory_space<semaphore_mem>>)
        } else {
        }
        %broadcast_in_dim3A_74 = arith.constant 0.000000e+00 : f32
        %broadcast_in_dim3A_75 = vector.broadcast %broadcast_in_dim3A_74 : f32 to vector<16xf32>
        %scan3A_76 = arith.constant 0 : i32
        %scan3A_77 = arith.constant 2048 : i32
        %scan3A_78 = arith.addi %scan3A_76, %scan3A_77 : i32
        %scan3A_79 = arith.constant 16 : i32
        %scan3A_80 = scf.for %scan3A_89 = %scan3A_76 to %scan3A_78 step %scan3A_79 iter_args(%scan3A_90 = %broadcast_in_dim3A_75) -> (vector<16xf32>)  : i32 {
          %sub3A = arith.constant 2047 : i32
          %sub3A_91 = arith.subi %sub3A, %scan3A_89 : i32
          %mul3A_92 = arith.constant 16 : i32
          %mul3A_93 = arith.muli %sub3A_91, %mul3A_92 : i32
          %multiple_of3A = tpu.assume_multiple %mul3A_93, 16 : i32
          %get3A = arith.index_cast %multiple_of3A : i32 to index
          %get3A_94 = tpu.vector_load %arg5[%get3A] {strides = array<i32>} : memref<32768xf32, #tpu.memory_space<vmem>>, vector<16xf32>,
          %broadcast_in_dim3A_95 = arith.constant true
          %broadcast_in_dim3A_96 = vector.broadcast %broadcast_in_dim3A_95 : i1 to vector<16xi1>
          %masked_cumsum3A = tpu.scan <sum>, %get3A_94 masked %broadcast_in_dim3A_96 : vector<16xf32>, vector<16xi1> -> vector<16xf32>
          %broadcast_in_dim3A_97 = vector.shape_cast %broadcast_in_dim3A_3 : vector<16xi32> to vector<16x1xi32>
          %gather3A = vector.shape_cast %broadcast_in_dim3A_97 : vector<16x1xi32> to vector<16xi32>
          %gather3A_98 = tpu.dynamic_gather %masked_cumsum3A[%gather3A] in [0] : vector<16xf32>, vector<16xi32> -> vector<16xf32>
          %add3A_99 = arith.addf %scan3A_90, %gather3A_98 : vector<16xf32>
          %sub3A_100 = arith.subf %add3A_99, %masked_cumsum3A : vector<16xf32>
          %add3A_101 = arith.addf %sub3A_100, %get3A_94 : vector<16xf32>
          %swap3A = arith.index_cast %multiple_of3A : i32 to index
          %swap3A_102 = tpu.vector_load %arg5[%swap3A] {strides = array<i32>} : memref<32768xf32, #tpu.memory_space<vmem>>, vector<16xf32>,
          tpu.vector_store %arg5[%swap3A], %add3A_101 {strides = array<i32>} : memref<32768xf32, #tpu.memory_space<vmem>>, vector<16xf32>,
          %add3A_103 = arith.addf %scan3A_90, %gather3A_98 : vector<16xf32>
          %scan3A_104 = arith.constant 1 : i32
          %scan3A_105 = arith.addi %scan3A_89, %scan3A_104 : i32
          %sub3A_106 = arith.constant 2047 : i32
          %sub3A_107 = arith.subi %sub3A_106, %scan3A_105 : i32
          %mul3A_108 = arith.constant 16 : i32
          %mul3A_109 = arith.muli %sub3A_107, %mul3A_108 : i32
          %multiple_of3A_110 = tpu.assume_multiple %mul3A_109, 16 : i32
          %get3A_111 = arith.index_cast %multiple_of3A_110 : i32 to index
          %get3A_112 = tpu.vector_load %arg5[%get3A_111] {strides = array<i32>} : memref<32768xf32, #tpu.memory_space<vmem>>, vector<16xf32>,
          %broadcast_in_dim3A_113 = arith.constant true
          %broadcast_in_dim3A_114 = vector.broadcast %broadcast_in_dim3A_113 : i1 to vector<16xi1>
          %masked_cumsum3A_115 = tpu.scan <sum>, %get3A_112 masked %broadcast_in_dim3A_114 : vector<16xf32>, vector<16xi1> -> vector<16xf32>
          %broadcast_in_dim3A_116 = vector.shape_cast %broadcast_in_dim3A_3 : vector<16xi32> to vector<16x1xi32>
          %gather3A_117 = vector.shape_cast %broadcast_in_dim3A_116 : vector<16x1xi32> to vector<16xi32>
          %gather3A_118 = tpu.dynamic_gather %masked_cumsum3A_115[%gather3A_117] in [0] : vector<16xf32>, vector<16xi32> -> vector<16xf32>
          %add3A_119 = arith.addf %add3A_103, %gather3A_118 : vector<16xf32>
          %sub3A_120 = arith.subf %add3A_119, %masked_cumsum3A_115 : vector<16xf32>
          %add3A_121 = arith.addf %sub3A_120, %get3A_112 : vector<16xf32>
          %swap3A_122 = arith.index_cast %multiple_of3A_110 : i32 to index
          %swap3A_123 = tpu.vector_load %arg5[%swap3A_122] {strides = array<i32>} : memref<32768xf32, #tpu.memory_space<vmem>>, vector<16xf32>,
          tpu.vector_store %arg5[%swap3A_122], %add3A_121 {strides = array<i32>} : memref<32768xf32, #tpu.memory_space<vmem>>, vector<16xf32>,
          %add3A_124 = arith.addf %add3A_103, %gather3A_118 : vector<16xf32>
          %scan3A_125 = arith.constant 2 : i32
          %scan3A_126 = arith.addi %scan3A_89, %scan3A_125 : i32
          %sub3A_127 = arith.constant 2047 : i32
          %sub3A_128 = arith.subi %sub3A_127, %scan3A_126 : i32
          %mul3A_129 = arith.constant 16 : i32
          %mul3A_130 = arith.muli %sub3A_128, %mul3A_129 : i32
          %multiple_of3A_131 = tpu.assume_multiple %mul3A_130, 16 : i32
          %get3A_132 = arith.index_cast %multiple_of3A_131 : i32 to index
          %get3A_133 = tpu.vector_load %arg5[%get3A_132] {strides = array<i32>} : memref<32768xf32, #tpu.memory_space<vmem>>, vector<16xf32>,
          %broadcast_in_dim3A_134 = arith.constant true
          %broadcast_in_dim3A_135 = vector.broadcast %broadcast_in_dim3A_134 : i1 to vector<16xi1>
          %masked_cumsum3A_136 = tpu.scan <sum>, %get3A_133 masked %broadcast_in_dim3A_135 : vector<16xf32>, vector<16xi1> -> vector<16xf32>
          %broadcast_in_dim3A_137 = vector.shape_cast %broadcast_in_dim3A_3 : vector<16xi32> to vector<16x1xi32>
          %gather3A_138 = vector.shape_cast %broadcast_in_dim3A_137 : vector<16x1xi32> to vector<16xi32>
          %gather3A_139 = tpu.dynamic_gather %masked_cumsum3A_136[%gather3A_138] in [0] : vector<16xf32>, vector<16xi32> -> vector<16xf32>
          %add3A_140 = arith.addf %add3A_124, %gather3A_139 : vector<16xf32>
          %sub3A_141 = arith.subf %add3A_140, %masked_cumsum3A_136 : vector<16xf32>
          %add3A_142 = arith.addf %sub3A_141, %get3A_133 : vector<16xf32>
          %swap3A_143 = arith.index_cast %multiple_of3A_131 : i32 to index
          %swap3A_144 = tpu.vector_load %arg5[%swap3A_143] {strides = array<i32>} : memref<32768xf32, #tpu.memory_space<vmem>>, vector<16xf32>,
          tpu.vector_store %arg5[%swap3A_143], %add3A_142 {strides = array<i32>} : memref<32768xf32, #tpu.memory_space<vmem>>, vector<16xf32>,
          %add3A_145 = arith.addf %add3A_124, %gather3A_139 : vector<16xf32>
          %scan3A_146 = arith.constant 3 : i32
          %scan3A_147 = arith.addi %scan3A_89, %scan3A_146 : i32
          %sub3A_148 = arith.constant 2047 : i32
          %sub3A_149 = arith.subi %sub3A_148, %scan3A_147 : i32
          %mul3A_150 = arith.constant 16 : i32
          %mul3A_151 = arith.muli %sub3A_149, %mul3A_150 : i32
          %multiple_of3A_152 = tpu.assume_multiple %mul3A_151, 16 : i32
          %get3A_153 = arith.index_cast %multiple_of3A_152 : i32 to index
          %get3A_154 = tpu.vector_load %arg5[%get3A_153] {strides = array<i32>} : memref<32768xf32, #tpu.memory_space<vmem>>, vector<16xf32>,
          %broadcast_in_dim3A_155 = arith.constant true
          %broadcast_in_dim3A_156 = vector.broadcast %broadcast_in_dim3A_155 : i1 to vector<16xi1>
          %masked_cumsum3A_157 = tpu.scan <sum>, %get3A_154 masked %broadcast_in_dim3A_156 : vector<16xf32>, vector<16xi1> -> vector<16xf32>
          %broadcast_in_dim3A_158 = vector.shape_cast %broadcast_in_dim3A_3 : vector<16xi32> to vector<16x1xi32>
          %gather3A_159 = vector.shape_cast %broadcast_in_dim3A_158 : vector<16x1xi32> to vector<16xi32>
          %gather3A_160 = tpu.dynamic_gather %masked_cumsum3A_157[%gather3A_159] in [0] : vector<16xf32>, vector<16xi32> -> vector<16xf32>
          %add3A_161 = arith.addf %add3A_145, %gather3A_160 : vector<16xf32>
          %sub3A_162 = arith.subf %add3A_161, %masked_cumsum3A_157 : vector<16xf32>
          %add3A_163 = arith.addf %sub3A_162, %get3A_154 : vector<16xf32>
          %swap3A_164 = arith.index_cast %multiple_of3A_152 : i32 to index
          %swap3A_165 = tpu.vector_load %arg5[%swap3A_164] {strides = array<i32>} : memref<32768xf32, #tpu.memory_space<vmem>>, vector<16xf32>,
          tpu.vector_store %arg5[%swap3A_164], %add3A_163 {strides = array<i32>} : memref<32768xf32, #tpu.memory_space<vmem>>, vector<16xf32>,
          %add3A_166 = arith.addf %add3A_145, %gather3A_160 : vector<16xf32>
          %scan3A_167 = arith.constant 4 : i32
          %scan3A_168 = arith.addi %scan3A_89, %scan3A_167 : i32
          %sub3A_169 = arith.constant 2047 : i32
          %sub3A_170 = arith.subi %sub3A_169, %scan3A_168 : i32
          %mul3A_171 = arith.constant 16 : i32
          %mul3A_172 = arith.muli %sub3A_170, %mul3A_171 : i32
          %multiple_of3A_173 = tpu.assume_multiple %mul3A_172, 16 : i32
          %get3A_174 = arith.index_cast %multiple_of3A_173 : i32 to index
          %get3A_175 = tpu.vector_load %arg5[%get3A_174] {strides = array<i32>} : memref<32768xf32, #tpu.memory_space<vmem>>, vector<16xf32>,
          %broadcast_in_dim3A_176 = arith.constant true
          %broadcast_in_dim3A_177 = vector.broadcast %broadcast_in_dim3A_176 : i1 to vector<16xi1>
          %masked_cumsum3A_178 = tpu.scan <sum>, %get3A_175 masked %broadcast_in_dim3A_177 : vector<16xf32>, vector<16xi1> -> vector<16xf32>
          %broadcast_in_dim3A_179 = vector.shape_cast %broadcast_in_dim3A_3 : vector<16xi32> to vector<16x1xi32>
          %gather3A_180 = vector.shape_cast %broadcast_in_dim3A_179 : vector<16x1xi32> to vector<16xi32>
          %gather3A_181 = tpu.dynamic_gather %masked_cumsum3A_178[%gather3A_180] in [0] : vector<16xf32>, vector<16xi32> -> vector<16xf32>
          %add3A_182 = arith.addf %add3A_166, %gather3A_181 : vector<16xf32>
          %sub3A_183 = arith.subf %add3A_182, %masked_cumsum3A_178 : vector<16xf32>
          %add3A_184 = arith.addf %sub3A_183, %get3A_175 : vector<16xf32>
          %swap3A_185 = arith.index_cast %multiple_of3A_173 : i32 to index
          %swap3A_186 = tpu.vector_load %arg5[%swap3A_185] {strides = array<i32>} : memref<32768xf32, #tpu.memory_space<vmem>>, vector<16xf32>,
          tpu.vector_store %arg5[%swap3A_185], %add3A_184 {strides = array<i32>} : memref<32768xf32, #tpu.memory_space<vmem>>, vector<16xf32>,
          %add3A_187 = arith.addf %add3A_166, %gather3A_181 : vector<16xf32>
          %scan3A_188 = arith.constant 5 : i32
          %scan3A_189 = arith.addi %scan3A_89, %scan3A_188 : i32
          %sub3A_190 = arith.constant 2047 : i32
          %sub3A_191 = arith.subi %sub3A_190, %scan3A_189 : i32
          %mul3A_192 = arith.constant 16 : i32
          %mul3A_193 = arith.muli %sub3A_191, %mul3A_192 : i32
          %multiple_of3A_194 = tpu.assume_multiple %mul3A_193, 16 : i32
          %get3A_195 = arith.index_cast %multiple_of3A_194 : i32 to index
          %get3A_196 = tpu.vector_load %arg5[%get3A_195] {strides = array<i32>} : memref<32768xf32, #tpu.memory_space<vmem>>, vector<16xf32>,
          %broadcast_in_dim3A_197 = arith.constant true
          %broadcast_in_dim3A_198 = vector.broadcast %broadcast_in_dim3A_197 : i1 to vector<16xi1>
          %masked_cumsum3A_199 = tpu.scan <sum>, %get3A_196 masked %broadcast_in_dim3A_198 : vector<16xf32>, vector<16xi1> -> vector<16xf32>
          %broadcast_in_dim3A_200 = vector.shape_cast %broadcast_in_dim3A_3 : vector<16xi32> to vector<16x1xi32>
          %gather3A_201 = vector.shape_cast %broadcast_in_dim3A_200 : vector<16x1xi32> to vector<16xi32>
          %gather3A_202 = tpu.dynamic_gather %masked_cumsum3A_199[%gather3A_201] in [0] : vector<16xf32>, vector<16xi32> -> vector<16xf32>
          %add3A_203 = arith.addf %add3A_187, %gather3A_202 : vector<16xf32>
          %sub3A_204 = arith.subf %add3A_203, %masked_cumsum3A_199 : vector<16xf32>
          %add3A_205 = arith.addf %sub3A_204, %get3A_196 : vector<16xf32>
          %swap3A_206 = arith.index_cast %multiple_of3A_194 : i32 to index
          %swap3A_207 = tpu.vector_load %arg5[%swap3A_206] {strides = array<i32>} : memref<32768xf32, #tpu.memory_space<vmem>>, vector<16xf32>,
          tpu.vector_store %arg5[%swap3A_206], %add3A_205 {strides = array<i32>} : memref<32768xf32, #tpu.memory_space<vmem>>, vector<16xf32>,
          %add3A_208 = arith.addf %add3A_187, %gather3A_202 : vector<16xf32>
          %scan3A_209 = arith.constant 6 : i32
          %scan3A_210 = arith.addi %scan3A_89, %scan3A_209 : i32
          %sub3A_211 = arith.constant 2047 : i32
          %sub3A_212 = arith.subi %sub3A_211, %scan3A_210 : i32
          %mul3A_213 = arith.constant 16 : i32
          %mul3A_214 = arith.muli %sub3A_212, %mul3A_213 : i32
          %multiple_of3A_215 = tpu.assume_multiple %mul3A_214, 16 : i32
          %get3A_216 = arith.index_cast %multiple_of3A_215 : i32 to index
          %get3A_217 = tpu.vector_load %arg5[%get3A_216] {strides = array<i32>} : memref<32768xf32, #tpu.memory_space<vmem>>, vector<16xf32>,
          %broadcast_in_dim3A_218 = arith.constant true
          %broadcast_in_dim3A_219 = vector.broadcast %broadcast_in_dim3A_218 : i1 to vector<16xi1>
          %masked_cumsum3A_220 = tpu.scan <sum>, %get3A_217 masked %broadcast_in_dim3A_219 : vector<16xf32>, vector<16xi1> -> vector<16xf32>
          %broadcast_in_dim3A_221 = vector.shape_cast %broadcast_in_dim3A_3 : vector<16xi32> to vector<16x1xi32>
          %gather3A_222 = vector.shape_cast %broadcast_in_dim3A_221 : vector<16x1xi32> to vector<16xi32>
          %gather3A_223 = tpu.dynamic_gather %masked_cumsum3A_220[%gather3A_222] in [0] : vector<16xf32>, vector<16xi32> -> vector<16xf32>
          %add3A_224 = arith.addf %add3A_208, %gather3A_223 : vector<16xf32>
          %sub3A_225 = arith.subf %add3A_224, %masked_cumsum3A_220 : vector<16xf32>
          %add3A_226 = arith.addf %sub3A_225, %get3A_217 : vector<16xf32>
          %swap3A_227 = arith.index_cast %multiple_of3A_215 : i32 to index
          %swap3A_228 = tpu.vector_load %arg5[%swap3A_227] {strides = array<i32>} : memref<32768xf32, #tpu.memory_space<vmem>>, vector<16xf32>,
          tpu.vector_store %arg5[%swap3A_227], %add3A_226 {strides = array<i32>} : memref<32768xf32, #tpu.memory_space<vmem>>, vector<16xf32>,
          %add3A_229 = arith.addf %add3A_208, %gather3A_223 : vector<16xf32>
          %scan3A_230 = arith.constant 7 : i32
          %scan3A_231 = arith.addi %scan3A_89, %scan3A_230 : i32
          %sub3A_232 = arith.constant 2047 : i32
          %sub3A_233 = arith.subi %sub3A_232, %scan3A_231 : i32
          %mul3A_234 = arith.constant 16 : i32
          %mul3A_235 = arith.muli %sub3A_233, %mul3A_234 : i32
          %multiple_of3A_236 = tpu.assume_multiple %mul3A_235, 16 : i32
          %get3A_237 = arith.index_cast %multiple_of3A_236 : i32 to index
          %get3A_238 = tpu.vector_load %arg5[%get3A_237] {strides = array<i32>} : memref<32768xf32, #tpu.memory_space<vmem>>, vector<16xf32>,
          %broadcast_in_dim3A_239 = arith.constant true
          %broadcast_in_dim3A_240 = vector.broadcast %broadcast_in_dim3A_239 : i1 to vector<16xi1>
          %masked_cumsum3A_241 = tpu.scan <sum>, %get3A_238 masked %broadcast_in_dim3A_240 : vector<16xf32>, vector<16xi1> -> vector<16xf32>
          %broadcast_in_dim3A_242 = vector.shape_cast %broadcast_in_dim3A_3 : vector<16xi32> to vector<16x1xi32>
          %gather3A_243 = vector.shape_cast %broadcast_in_dim3A_242 : vector<16x1xi32> to vector<16xi32>
          %gather3A_244 = tpu.dynamic_gather %masked_cumsum3A_241[%gather3A_243] in [0] : vector<16xf32>, vector<16xi32> -> vector<16xf32>
          %add3A_245 = arith.addf %add3A_229, %gather3A_244 : vector<16xf32>
          %sub3A_246 = arith.subf %add3A_245, %masked_cumsum3A_241 : vector<16xf32>
          %add3A_247 = arith.addf %sub3A_246, %get3A_238 : vector<16xf32>
          %swap3A_248 = arith.index_cast %multiple_of3A_236 : i32 to index
          %swap3A_249 = tpu.vector_load %arg5[%swap3A_248] {strides = array<i32>} : memref<32768xf32, #tpu.memory_space<vmem>>, vector<16xf32>,
          tpu.vector_store %arg5[%swap3A_248], %add3A_247 {strides = array<i32>} : memref<32768xf32, #tpu.memory_space<vmem>>, vector<16xf32>,
          %add3A_250 = arith.addf %add3A_229, %gather3A_244 : vector<16xf32>
          %scan3A_251 = arith.constant 8 : i32
          %scan3A_252 = arith.addi %scan3A_89, %scan3A_251 : i32
          %sub3A_253 = arith.constant 2047 : i32
          %sub3A_254 = arith.subi %sub3A_253, %scan3A_252 : i32
          %mul3A_255 = arith.constant 16 : i32
          %mul3A_256 = arith.muli %sub3A_254, %mul3A_255 : i32
          %multiple_of3A_257 = tpu.assume_multiple %mul3A_256, 16 : i32
          %get3A_258 = arith.index_cast %multiple_of3A_257 : i32 to index
          %get3A_259 = tpu.vector_load %arg5[%get3A_258] {strides = array<i32>} : memref<32768xf32, #tpu.memory_space<vmem>>, vector<16xf32>,
          %broadcast_in_dim3A_260 = arith.constant true
          %broadcast_in_dim3A_261 = vector.broadcast %broadcast_in_dim3A_260 : i1 to vector<16xi1>
          %masked_cumsum3A_262 = tpu.scan <sum>, %get3A_259 masked %broadcast_in_dim3A_261 : vector<16xf32>, vector<16xi1> -> vector<16xf32>
          %broadcast_in_dim3A_263 = vector.shape_cast %broadcast_in_dim3A_3 : vector<16xi32> to vector<16x1xi32>
          %gather3A_264 = vector.shape_cast %broadcast_in_dim3A_263 : vector<16x1xi32> to vector<16xi32>
          %gather3A_265 = tpu.dynamic_gather %masked_cumsum3A_262[%gather3A_264] in [0] : vector<16xf32>, vector<16xi32> -> vector<16xf32>
          %add3A_266 = arith.addf %add3A_250, %gather3A_265 : vector<16xf32>
          %sub3A_267 = arith.subf %add3A_266, %masked_cumsum3A_262 : vector<16xf32>
          %add3A_268 = arith.addf %sub3A_267, %get3A_259 : vector<16xf32>
          %swap3A_269 = arith.index_cast %multiple_of3A_257 : i32 to index
          %swap3A_270 = tpu.vector_load %arg5[%swap3A_269] {strides = array<i32>} : memref<32768xf32, #tpu.memory_space<vmem>>, vector<16xf32>,
          tpu.vector_store %arg5[%swap3A_269], %add3A_268 {strides = array<i32>} : memref<32768xf32, #tpu.memory_space<vmem>>, vector<16xf32>,
          %add3A_271 = arith.addf %add3A_250, %gather3A_265 : vector<16xf32>
          %scan3A_272 = arith.constant 9 : i32
          %scan3A_273 = arith.addi %scan3A_89, %scan3A_272 : i32
          %sub3A_274 = arith.constant 2047 : i32
          %sub3A_275 = arith.subi %sub3A_274, %scan3A_273 : i32
          %mul3A_276 = arith.constant 16 : i32
          %mul3A_277 = arith.muli %sub3A_275, %mul3A_276 : i32
          %multiple_of3A_278 = tpu.assume_multiple %mul3A_277, 16 : i32
          %get3A_279 = arith.index_cast %multiple_of3A_278 : i32 to index
          %get3A_280 = tpu.vector_load %arg5[%get3A_279] {strides = array<i32>} : memref<32768xf32, #tpu.memory_space<vmem>>, vector<16xf32>,
          %broadcast_in_dim3A_281 = arith.constant true
          %broadcast_in_dim3A_282 = vector.broadcast %broadcast_in_dim3A_281 : i1 to vector<16xi1>
          %masked_cumsum3A_283 = tpu.scan <sum>, %get3A_280 masked %broadcast_in_dim3A_282 : vector<16xf32>, vector<16xi1> -> vector<16xf32>
          %broadcast_in_dim3A_284 = vector.shape_cast %broadcast_in_dim3A_3 : vector<16xi32> to vector<16x1xi32>
          %gather3A_285 = vector.shape_cast %broadcast_in_dim3A_284 : vector<16x1xi32> to vector<16xi32>
          %gather3A_286 = tpu.dynamic_gather %masked_cumsum3A_283[%gather3A_285] in [0] : vector<16xf32>, vector<16xi32> -> vector<16xf32>
          %add3A_287 = arith.addf %add3A_271, %gather3A_286 : vector<16xf32>
          %sub3A_288 = arith.subf %add3A_287, %masked_cumsum3A_283 : vector<16xf32>
          %add3A_289 = arith.addf %sub3A_288, %get3A_280 : vector<16xf32>
          %swap3A_290 = arith.index_cast %multiple_of3A_278 : i32 to index
          %swap3A_291 = tpu.vector_load %arg5[%swap3A_290] {strides = array<i32>} : memref<32768xf32, #tpu.memory_space<vmem>>, vector<16xf32>,
          tpu.vector_store %arg5[%swap3A_290], %add3A_289 {strides = array<i32>} : memref<32768xf32, #tpu.memory_space<vmem>>, vector<16xf32>,
          %add3A_292 = arith.addf %add3A_271, %gather3A_286 : vector<16xf32>
          %scan3A_293 = arith.constant 10 : i32
          %scan3A_294 = arith.addi %scan3A_89, %scan3A_293 : i32
          %sub3A_295 = arith.constant 2047 : i32
          %sub3A_296 = arith.subi %sub3A_295, %scan3A_294 : i32
          %mul3A_297 = arith.constant 16 : i32
          %mul3A_298 = arith.muli %sub3A_296, %mul3A_297 : i32
          %multiple_of3A_299 = tpu.assume_multiple %mul3A_298, 16 : i32
          %get3A_300 = arith.index_cast %multiple_of3A_299 : i32 to index
          %get3A_301 = tpu.vector_load %arg5[%get3A_300] {strides = array<i32>} : memref<32768xf32, #tpu.memory_space<vmem>>, vector<16xf32>,
          %broadcast_in_dim3A_302 = arith.constant true
          %broadcast_in_dim3A_303 = vector.broadcast %broadcast_in_dim3A_302 : i1 to vector<16xi1>
          %masked_cumsum3A_304 = tpu.scan <sum>, %get3A_301 masked %broadcast_in_dim3A_303 : vector<16xf32>, vector<16xi1> -> vector<16xf32>
          %broadcast_in_dim3A_305 = vector.shape_cast %broadcast_in_dim3A_3 : vector<16xi32> to vector<16x1xi32>
          %gather3A_306 = vector.shape_cast %broadcast_in_dim3A_305 : vector<16x1xi32> to vector<16xi32>
          %gather3A_307 = tpu.dynamic_gather %masked_cumsum3A_304[%gather3A_306] in [0] : vector<16xf32>, vector<16xi32> -> vector<16xf32>
          %add3A_308 = arith.addf %add3A_292, %gather3A_307 : vector<16xf32>
          %sub3A_309 = arith.subf %add3A_308, %masked_cumsum3A_304 : vector<16xf32>
          %add3A_310 = arith.addf %sub3A_309, %get3A_301 : vector<16xf32>
          %swap3A_311 = arith.index_cast %multiple_of3A_299 : i32 to index
          %swap3A_312 = tpu.vector_load %arg5[%swap3A_311] {strides = array<i32>} : memref<32768xf32, #tpu.memory_space<vmem>>, vector<16xf32>,
          tpu.vector_store %arg5[%swap3A_311], %add3A_310 {strides = array<i32>} : memref<32768xf32, #tpu.memory_space<vmem>>, vector<16xf32>,
          %add3A_313 = arith.addf %add3A_292, %gather3A_307 : vector<16xf32>
          %scan3A_314 = arith.constant 11 : i32
          %scan3A_315 = arith.addi %scan3A_89, %scan3A_314 : i32
          %sub3A_316 = arith.constant 2047 : i32
          %sub3A_317 = arith.subi %sub3A_316, %scan3A_315 : i32
          %mul3A_318 = arith.constant 16 : i32
          %mul3A_319 = arith.muli %sub3A_317, %mul3A_318 : i32
          %multiple_of3A_320 = tpu.assume_multiple %mul3A_319, 16 : i32
          %get3A_321 = arith.index_cast %multiple_of3A_320 : i32 to index
          %get3A_322 = tpu.vector_load %arg5[%get3A_321] {strides = array<i32>} : memref<32768xf32, #tpu.memory_space<vmem>>, vector<16xf32>,
          %broadcast_in_dim3A_323 = arith.constant true
          %broadcast_in_dim3A_324 = vector.broadcast %broadcast_in_dim3A_323 : i1 to vector<16xi1>
          %masked_cumsum3A_325 = tpu.scan <sum>, %get3A_322 masked %broadcast_in_dim3A_324 : vector<16xf32>, vector<16xi1> -> vector<16xf32>
          %broadcast_in_dim3A_326 = vector.shape_cast %broadcast_in_dim3A_3 : vector<16xi32> to vector<16x1xi32>
          %gather3A_327 = vector.shape_cast %broadcast_in_dim3A_326 : vector<16x1xi32> to vector<16xi32>
          %gather3A_328 = tpu.dynamic_gather %masked_cumsum3A_325[%gather3A_327] in [0] : vector<16xf32>, vector<16xi32> -> vector<16xf32>
          %add3A_329 = arith.addf %add3A_313, %gather3A_328 : vector<16xf32>
          %sub3A_330 = arith.subf %add3A_329, %masked_cumsum3A_325 : vector<16xf32>
          %add3A_331 = arith.addf %sub3A_330, %get3A_322 : vector<16xf32>
          %swap3A_332 = arith.index_cast %multiple_of3A_320 : i32 to index
          %swap3A_333 = tpu.vector_load %arg5[%swap3A_332] {strides = array<i32>} : memref<32768xf32, #tpu.memory_space<vmem>>, vector<16xf32>,
          tpu.vector_store %arg5[%swap3A_332], %add3A_331 {strides = array<i32>} : memref<32768xf32, #tpu.memory_space<vmem>>, vector<16xf32>,
          %add3A_334 = arith.addf %add3A_313, %gather3A_328 : vector<16xf32>
          %scan3A_335 = arith.constant 12 : i32
          %scan3A_336 = arith.addi %scan3A_89, %scan3A_335 : i32
          %sub3A_337 = arith.constant 2047 : i32
          %sub3A_338 = arith.subi %sub3A_337, %scan3A_336 : i32
          %mul3A_339 = arith.constant 16 : i32
          %mul3A_340 = arith.muli %sub3A_338, %mul3A_339 : i32
          %multiple_of3A_341 = tpu.assume_multiple %mul3A_340, 16 : i32
          %get3A_342 = arith.index_cast %multiple_of3A_341 : i32 to index
          %get3A_343 = tpu.vector_load %arg5[%get3A_342] {strides = array<i32>} : memref<32768xf32, #tpu.memory_space<vmem>>, vector<16xf32>,
          %broadcast_in_dim3A_344 = arith.constant true
          %broadcast_in_dim3A_345 = vector.broadcast %broadcast_in_dim3A_344 : i1 to vector<16xi1>
          %masked_cumsum3A_346 = tpu.scan <sum>, %get3A_343 masked %broadcast_in_dim3A_345 : vector<16xf32>, vector<16xi1> -> vector<16xf32>
          %broadcast_in_dim3A_347 = vector.shape_cast %broadcast_in_dim3A_3 : vector<16xi32> to vector<16x1xi32>
          %gather3A_348 = vector.shape_cast %broadcast_in_dim3A_347 : vector<16x1xi32> to vector<16xi32>
          %gather3A_349 = tpu.dynamic_gather %masked_cumsum3A_346[%gather3A_348] in [0] : vector<16xf32>, vector<16xi32> -> vector<16xf32>
          %add3A_350 = arith.addf %add3A_334, %gather3A_349 : vector<16xf32>
          %sub3A_351 = arith.subf %add3A_350, %masked_cumsum3A_346 : vector<16xf32>
          %add3A_352 = arith.addf %sub3A_351, %get3A_343 : vector<16xf32>
          %swap3A_353 = arith.index_cast %multiple_of3A_341 : i32 to index
          %swap3A_354 = tpu.vector_load %arg5[%swap3A_353] {strides = array<i32>} : memref<32768xf32, #tpu.memory_space<vmem>>, vector<16xf32>,
          tpu.vector_store %arg5[%swap3A_353], %add3A_352 {strides = array<i32>} : memref<32768xf32, #tpu.memory_space<vmem>>, vector<16xf32>,
          %add3A_355 = arith.addf %add3A_334, %gather3A_349 : vector<16xf32>
          %scan3A_356 = arith.constant 13 : i32
          %scan3A_357 = arith.addi %scan3A_89, %scan3A_356 : i32
          %sub3A_358 = arith.constant 2047 : i32
          %sub3A_359 = arith.subi %sub3A_358, %scan3A_357 : i32
          %mul3A_360 = arith.constant 16 : i32
          %mul3A_361 = arith.muli %sub3A_359, %mul3A_360 : i32
          %multiple_of3A_362 = tpu.assume_multiple %mul3A_361, 16 : i32
          %get3A_363 = arith.index_cast %multiple_of3A_362 : i32 to index
          %get3A_364 = tpu.vector_load %arg5[%get3A_363] {strides = array<i32>} : memref<32768xf32, #tpu.memory_space<vmem>>, vector<16xf32>,
          %broadcast_in_dim3A_365 = arith.constant true
          %broadcast_in_dim3A_366 = vector.broadcast %broadcast_in_dim3A_365 : i1 to vector<16xi1>
          %masked_cumsum3A_367 = tpu.scan <sum>, %get3A_364 masked %broadcast_in_dim3A_366 : vector<16xf32>, vector<16xi1> -> vector<16xf32>
          %broadcast_in_dim3A_368 = vector.shape_cast %broadcast_in_dim3A_3 : vector<16xi32> to vector<16x1xi32>
          %gather3A_369 = vector.shape_cast %broadcast_in_dim3A_368 : vector<16x1xi32> to vector<16xi32>
          %gather3A_370 = tpu.dynamic_gather %masked_cumsum3A_367[%gather3A_369] in [0] : vector<16xf32>, vector<16xi32> -> vector<16xf32>
          %add3A_371 = arith.addf %add3A_355, %gather3A_370 : vector<16xf32>
          %sub3A_372 = arith.subf %add3A_371, %masked_cumsum3A_367 : vector<16xf32>
          %add3A_373 = arith.addf %sub3A_372, %get3A_364 : vector<16xf32>
          %swap3A_374 = arith.index_cast %multiple_of3A_362 : i32 to index
          %swap3A_375 = tpu.vector_load %arg5[%swap3A_374] {strides = array<i32>} : memref<32768xf32, #tpu.memory_space<vmem>>, vector<16xf32>,
          tpu.vector_store %arg5[%swap3A_374], %add3A_373 {strides = array<i32>} : memref<32768xf32, #tpu.memory_space<vmem>>, vector<16xf32>,
          %add3A_376 = arith.addf %add3A_355, %gather3A_370 : vector<16xf32>
          %scan3A_377 = arith.constant 14 : i32
          %scan3A_378 = arith.addi %scan3A_89, %scan3A_377 : i32
          %sub3A_379 = arith.constant 2047 : i32
          %sub3A_380 = arith.subi %sub3A_379, %scan3A_378 : i32
          %mul3A_381 = arith.constant 16 : i32
          %mul3A_382 = arith.muli %sub3A_380, %mul3A_381 : i32
          %multiple_of3A_383 = tpu.assume_multiple %mul3A_382, 16 : i32
          %get3A_384 = arith.index_cast %multiple_of3A_383 : i32 to index
          %get3A_385 = tpu.vector_load %arg5[%get3A_384] {strides = array<i32>} : memref<32768xf32, #tpu.memory_space<vmem>>, vector<16xf32>,
          %broadcast_in_dim3A_386 = arith.constant true
          %broadcast_in_dim3A_387 = vector.broadcast %broadcast_in_dim3A_386 : i1 to vector<16xi1>
          %masked_cumsum3A_388 = tpu.scan <sum>, %get3A_385 masked %broadcast_in_dim3A_387 : vector<16xf32>, vector<16xi1> -> vector<16xf32>
          %broadcast_in_dim3A_389 = vector.shape_cast %broadcast_in_dim3A_3 : vector<16xi32> to vector<16x1xi32>
          %gather3A_390 = vector.shape_cast %broadcast_in_dim3A_389 : vector<16x1xi32> to vector<16xi32>
          %gather3A_391 = tpu.dynamic_gather %masked_cumsum3A_388[%gather3A_390] in [0] : vector<16xf32>, vector<16xi32> -> vector<16xf32>
          %add3A_392 = arith.addf %add3A_376, %gather3A_391 : vector<16xf32>
          %sub3A_393 = arith.subf %add3A_392, %masked_cumsum3A_388 : vector<16xf32>
          %add3A_394 = arith.addf %sub3A_393, %get3A_385 : vector<16xf32>
          %swap3A_395 = arith.index_cast %multiple_of3A_383 : i32 to index
          %swap3A_396 = tpu.vector_load %arg5[%swap3A_395] {strides = array<i32>} : memref<32768xf32, #tpu.memory_space<vmem>>, vector<16xf32>,
          tpu.vector_store %arg5[%swap3A_395], %add3A_394 {strides = array<i32>} : memref<32768xf32, #tpu.memory_space<vmem>>, vector<16xf32>,
          %add3A_397 = arith.addf %add3A_376, %gather3A_391 : vector<16xf32>
          %scan3A_398 = arith.constant 15 : i32
          %scan3A_399 = arith.addi %scan3A_89, %scan3A_398 : i32
          %sub3A_400 = arith.constant 2047 : i32
          %sub3A_401 = arith.subi %sub3A_400, %scan3A_399 : i32
          %mul3A_402 = arith.constant 16 : i32
          %mul3A_403 = arith.muli %sub3A_401, %mul3A_402 : i32
          %multiple_of3A_404 = tpu.assume_multiple %mul3A_403, 16 : i32
          %get3A_405 = arith.index_cast %multiple_of3A_404 : i32 to index
          %get3A_406 = tpu.vector_load %arg5[%get3A_405] {strides = array<i32>} : memref<32768xf32, #tpu.memory_space<vmem>>, vector<16xf32>,
          %broadcast_in_dim3A_407 = arith.constant true
          %broadcast_in_dim3A_408 = vector.broadcast %broadcast_in_dim3A_407 : i1 to vector<16xi1>
          %masked_cumsum3A_409 = tpu.scan <sum>, %get3A_406 masked %broadcast_in_dim3A_408 : vector<16xf32>, vector<16xi1> -> vector<16xf32>
          %broadcast_in_dim3A_410 = vector.shape_cast %broadcast_in_dim3A_3 : vector<16xi32> to vector<16x1xi32>
          %gather3A_411 = vector.shape_cast %broadcast_in_dim3A_410 : vector<16x1xi32> to vector<16xi32>
          %gather3A_412 = tpu.dynamic_gather %masked_cumsum3A_409[%gather3A_411] in [0] : vector<16xf32>, vector<16xi32> -> vector<16xf32>
          %add3A_413 = arith.addf %add3A_397, %gather3A_412 : vector<16xf32>
          %sub3A_414 = arith.subf %add3A_413, %masked_cumsum3A_409 : vector<16xf32>
          %add3A_415 = arith.addf %sub3A_414, %get3A_406 : vector<16xf32>
          %swap3A_416 = arith.index_cast %multiple_of3A_404 : i32 to index
          %swap3A_417 = tpu.vector_load %arg5[%swap3A_416] {strides = array<i32>} : memref<32768xf32, #tpu.memory_space<vmem>>, vector<16xf32>,
          tpu.vector_store %arg5[%swap3A_416], %add3A_415 {strides = array<i32>} : memref<32768xf32, #tpu.memory_space<vmem>>, vector<16xf32>,
          %add3A_418 = arith.addf %add3A_397, %gather3A_412 : vector<16xf32>
          scf.yield %add3A_418 : vector<16xf32>
        }
        %scan3A_81 = arith.constant 2048 : i32
        %add3A_82 = arith.addi %mul3A_2, %add3A_45 : i32
        %dma_start3A_83 = arith.constant 0 : i32
        %dma_start3A_84 = tpu.memref_slice %arg3[%add3A_82, %dma_start3A_83] : memref<1024x32768xf32, #tpu.memory_space<hbm>> -> memref<1x32768xf32, #tpu.memory_space<hbm>>
        %dma_start3A_85 = tpu.memref_squeeze %dma_start3A_84 : memref<1x32768xf32, #tpu.memory_space<hbm>> -> memref<32768xf32, #tpu.memory_space<hbm>>
        %dma_start3A_86 = arith.constant 0 : i32
        %dma_start3A_87 = tpu.memref_slice %arg3[%add3A_82, %dma_start3A_86] : memref<1024x32768xf32, #tpu.memory_space<hbm>> -> memref<1x32768xf32, #tpu.memory_space<hbm>>
        %dma_start3A_88 = tpu.memref_squeeze %dma_start3A_87 : memref<1x32768xf32, #tpu.memory_space<hbm>> -> memref<32768xf32, #tpu.memory_space<hbm>>
        tpu.enqueue_dma source(%arg5 : memref<32768xf32, #tpu.memory_space<vmem>>) target(%dma_start3A_88 : memref<32768xf32, #tpu.memory_space<hbm>>) target_semaphore(%arg11 : memref<!tpu.dma_semaphore, #tpu.memory_space<semaphore_mem>>)
      } else {
      }
      %mul3A_51 = arith.constant 3 : i32
      %mul3A_52 = arith.muli %scan3A_34, %mul3A_51 : i32
      %add3A_53 = arith.constant 2 : i32
      %add3A_54 = arith.addi %mul3A_52, %add3A_53 : i32
      %lt3A_55 = arith.constant 32 : i32
      %lt3A_56 = arith.cmpi slt, %add3A_54, %lt3A_55 : i32
      %convert_element_type3A_57 = arith.extui %lt3A_56 : i1 to i32
      %cond3A_58 = arith.constant 0 : i32
      %cond3A_59 = arith.cmpi ne, %convert_element_type3A_57, %cond3A_58 : i32
      scf.if %cond3A_59 {
        %dma_wait3A_61 = arith.constant 0 : i32
        %dma_wait3A_62 = tpu.memref_slice %arg2[%mul3A_2, %dma_wait3A_61] : memref<1024x32768xf32, #tpu.memory_space<hbm>> -> memref<1x32768xf32, #tpu.memory_space<hbm>>
        %dma_wait3A_63 = tpu.memref_squeeze %dma_wait3A_62 : memref<1x32768xf32, #tpu.memory_space<hbm>> -> memref<32768xf32, #tpu.memory_space<hbm>>
        %dma_wait3A_64 = arith.constant 0 : i32
        %dma_wait3A_65 = tpu.memref_slice %arg2[%mul3A_2, %dma_wait3A_64] : memref<1024x32768xf32, #tpu.memory_space<hbm>> -> memref<1x32768xf32, #tpu.memory_space<hbm>>
        %dma_wait3A_66 = tpu.memref_squeeze %dma_wait3A_65 : memref<1x32768xf32, #tpu.memory_space<hbm>> -> memref<32768xf32, #tpu.memory_space<hbm>>
        tpu.wait_dma2 semaphore(%arg9 : memref<!tpu.dma_semaphore, #tpu.memory_space<semaphore_mem>>) src(%dma_wait3A_66 : memref<32768xf32, #tpu.memory_space<hbm>>) dst(%arg6 : memref<32768xf32, #tpu.memory_space<vmem>>)
        %add3A_67 = arith.constant 1 : i32
        %add3A_68 = arith.addi %add3A_54, %add3A_67 : i32
        %lt3A_69 = arith.constant 32 : i32
        %lt3A_70 = arith.cmpi slt, %add3A_68, %lt3A_69 : i32
        %convert_element_type3A_71 = arith.extui %lt3A_70 : i1 to i32
        %cond3A_72 = arith.constant 0 : i32
        %cond3A_73 = arith.cmpi ne, %convert_element_type3A_71, %cond3A_72 : i32
        scf.if %cond3A_73 {
          %add3A_89 = arith.constant 1 : i32
          %add3A_90 = arith.addi %add3A_54, %add3A_89 : i32
          %sub3A = arith.constant 3 : i32
          %sub3A_91 = arith.subi %add3A_90, %sub3A : i32
          %ge3A = arith.constant 0 : i32
          %ge3A_92 = arith.cmpi sge, %sub3A_91, %ge3A : i32
          %convert_element_type3A_93 = arith.extui %ge3A_92 : i1 to i32
          %cond3A_94 = arith.constant 0 : i32
          %cond3A_95 = arith.cmpi ne, %convert_element_type3A_93, %cond3A_94 : i32
          scf.if %cond3A_95 {
            %dma_wait3A_105 = arith.constant 0 : i32
            %dma_wait3A_106 = tpu.memref_slice %arg3[%mul3A_2, %dma_wait3A_105] : memref<1024x32768xf32, #tpu.memory_space<hbm>> -> memref<1x32768xf32, #tpu.memory_space<hbm>>
            %dma_wait3A_107 = tpu.memref_squeeze %dma_wait3A_106 : memref<1x32768xf32, #tpu.memory_space<hbm>> -> memref<32768xf32, #tpu.memory_space<hbm>>
            %dma_wait3A_108 = arith.constant 0 : i32
            %dma_wait3A_109 = tpu.memref_slice %arg3[%mul3A_2, %dma_wait3A_108] : memref<1024x32768xf32, #tpu.memory_space<hbm>> -> memref<1x32768xf32, #tpu.memory_space<hbm>>
            %dma_wait3A_110 = tpu.memref_squeeze %dma_wait3A_109 : memref<1x32768xf32, #tpu.memory_space<hbm>> -> memref<32768xf32, #tpu.memory_space<hbm>>
            tpu.wait_dma2 semaphore(%arg10 : memref<!tpu.dma_semaphore, #tpu.memory_space<semaphore_mem>>) src(%arg4 : memref<32768xf32, #tpu.memory_space<vmem>>) dst(%dma_wait3A_110 : memref<32768xf32, #tpu.memory_space<hbm>>)
          } else {
          }
          %add3A_96 = arith.constant 1 : i32
          %add3A_97 = arith.addi %add3A_54, %add3A_96 : i32
          %add3A_98 = arith.addi %mul3A_2, %add3A_97 : i32
          %dma_start3A_99 = arith.constant 0 : i32
          %dma_start3A_100 = tpu.memref_slice %arg2[%add3A_98, %dma_start3A_99] : memref<1024x32768xf32, #tpu.memory_space<hbm>> -> memref<1x32768xf32, #tpu.memory_space<hbm>>
          %dma_start3A_101 = tpu.memref_squeeze %dma_start3A_100 : memref<1x32768xf32, #tpu.memory_space<hbm>> -> memref<32768xf32, #tpu.memory_space<hbm>>
          %dma_start3A_102 = arith.constant 0 : i32
          %dma_start3A_103 = tpu.memref_slice %arg2[%add3A_98, %dma_start3A_102] : memref<1024x32768xf32, #tpu.memory_space<hbm>> -> memref<1x32768xf32, #tpu.memory_space<hbm>>
          %dma_start3A_104 = tpu.memref_squeeze %dma_start3A_103 : memref<1x32768xf32, #tpu.memory_space<hbm>> -> memref<32768xf32, #tpu.memory_space<hbm>>
          tpu.enqueue_dma source(%dma_start3A_104 : memref<32768xf32, #tpu.memory_space<hbm>>) target(%arg4 : memref<32768xf32, #tpu.memory_space<vmem>>) target_semaphore(%arg7 : memref<!tpu.dma_semaphore, #tpu.memory_space<semaphore_mem>>)
        } else {
        }
        %broadcast_in_dim3A_74 = arith.constant 0.000000e+00 : f32
        %broadcast_in_dim3A_75 = vector.broadcast %broadcast_in_dim3A_74 : f32 to vector<16xf32>
        %scan3A_76 = arith.constant 0 : i32
        %scan3A_77 = arith.constant 2048 : i32
        %scan3A_78 = arith.addi %scan3A_76, %scan3A_77 : i32
        %scan3A_79 = arith.constant 16 : i32
        %scan3A_80 = scf.for %scan3A_89 = %scan3A_76 to %scan3A_78 step %scan3A_79 iter_args(%scan3A_90 = %broadcast_in_dim3A_75) -> (vector<16xf32>)  : i32 {
          %sub3A = arith.constant 2047 : i32
          %sub3A_91 = arith.subi %sub3A, %scan3A_89 : i32
          %mul3A_92 = arith.constant 16 : i32
          %mul3A_93 = arith.muli %sub3A_91, %mul3A_92 : i32
          %multiple_of3A = tpu.assume_multiple %mul3A_93, 16 : i32
          %get3A = arith.index_cast %multiple_of3A : i32 to index
          %get3A_94 = tpu.vector_load %arg6[%get3A] {strides = array<i32>} : memref<32768xf32, #tpu.memory_space<vmem>>, vector<16xf32>,
          %broadcast_in_dim3A_95 = arith.constant true
          %broadcast_in_dim3A_96 = vector.broadcast %broadcast_in_dim3A_95 : i1 to vector<16xi1>
          %masked_cumsum3A = tpu.scan <sum>, %get3A_94 masked %broadcast_in_dim3A_96 : vector<16xf32>, vector<16xi1> -> vector<16xf32>
          %broadcast_in_dim3A_97 = vector.shape_cast %broadcast_in_dim3A_3 : vector<16xi32> to vector<16x1xi32>
          %gather3A = vector.shape_cast %broadcast_in_dim3A_97 : vector<16x1xi32> to vector<16xi32>
          %gather3A_98 = tpu.dynamic_gather %masked_cumsum3A[%gather3A] in [0] : vector<16xf32>, vector<16xi32> -> vector<16xf32>
          %add3A_99 = arith.addf %scan3A_90, %gather3A_98 : vector<16xf32>
          %sub3A_100 = arith.subf %add3A_99, %masked_cumsum3A : vector<16xf32>
          %add3A_101 = arith.addf %sub3A_100, %get3A_94 : vector<16xf32>
          %swap3A = arith.index_cast %multiple_of3A : i32 to index
          %swap3A_102 = tpu.vector_load %arg6[%swap3A] {strides = array<i32>} : memref<32768xf32, #tpu.memory_space<vmem>>, vector<16xf32>,
          tpu.vector_store %arg6[%swap3A], %add3A_101 {strides = array<i32>} : memref<32768xf32, #tpu.memory_space<vmem>>, vector<16xf32>,
          %add3A_103 = arith.addf %scan3A_90, %gather3A_98 : vector<16xf32>
          %scan3A_104 = arith.constant 1 : i32
          %scan3A_105 = arith.addi %scan3A_89, %scan3A_104 : i32
          %sub3A_106 = arith.constant 2047 : i32
          %sub3A_107 = arith.subi %sub3A_106, %scan3A_105 : i32
          %mul3A_108 = arith.constant 16 : i32
          %mul3A_109 = arith.muli %sub3A_107, %mul3A_108 : i32
          %multiple_of3A_110 = tpu.assume_multiple %mul3A_109, 16 : i32
          %get3A_111 = arith.index_cast %multiple_of3A_110 : i32 to index
          %get3A_112 = tpu.vector_load %arg6[%get3A_111] {strides = array<i32>} : memref<32768xf32, #tpu.memory_space<vmem>>, vector<16xf32>,
          %broadcast_in_dim3A_113 = arith.constant true
          %broadcast_in_dim3A_114 = vector.broadcast %broadcast_in_dim3A_113 : i1 to vector<16xi1>
          %masked_cumsum3A_115 = tpu.scan <sum>, %get3A_112 masked %broadcast_in_dim3A_114 : vector<16xf32>, vector<16xi1> -> vector<16xf32>
          %broadcast_in_dim3A_116 = vector.shape_cast %broadcast_in_dim3A_3 : vector<16xi32> to vector<16x1xi32>
          %gather3A_117 = vector.shape_cast %broadcast_in_dim3A_116 : vector<16x1xi32> to vector<16xi32>
          %gather3A_118 = tpu.dynamic_gather %masked_cumsum3A_115[%gather3A_117] in [0] : vector<16xf32>, vector<16xi32> -> vector<16xf32>
          %add3A_119 = arith.addf %add3A_103, %gather3A_118 : vector<16xf32>
          %sub3A_120 = arith.subf %add3A_119, %masked_cumsum3A_115 : vector<16xf32>
          %add3A_121 = arith.addf %sub3A_120, %get3A_112 : vector<16xf32>
          %swap3A_122 = arith.index_cast %multiple_of3A_110 : i32 to index
          %swap3A_123 = tpu.vector_load %arg6[%swap3A_122] {strides = array<i32>} : memref<32768xf32, #tpu.memory_space<vmem>>, vector<16xf32>,
          tpu.vector_store %arg6[%swap3A_122], %add3A_121 {strides = array<i32>} : memref<32768xf32, #tpu.memory_space<vmem>>, vector<16xf32>,
          %add3A_124 = arith.addf %add3A_103, %gather3A_118 : vector<16xf32>
          %scan3A_125 = arith.constant 2 : i32
          %scan3A_126 = arith.addi %scan3A_89, %scan3A_125 : i32
          %sub3A_127 = arith.constant 2047 : i32
          %sub3A_128 = arith.subi %sub3A_127, %scan3A_126 : i32
          %mul3A_129 = arith.constant 16 : i32
          %mul3A_130 = arith.muli %sub3A_128, %mul3A_129 : i32
          %multiple_of3A_131 = tpu.assume_multiple %mul3A_130, 16 : i32
          %get3A_132 = arith.index_cast %multiple_of3A_131 : i32 to index
          %get3A_133 = tpu.vector_load %arg6[%get3A_132] {strides = array<i32>} : memref<32768xf32, #tpu.memory_space<vmem>>, vector<16xf32>,
          %broadcast_in_dim3A_134 = arith.constant true
          %broadcast_in_dim3A_135 = vector.broadcast %broadcast_in_dim3A_134 : i1 to vector<16xi1>
          %masked_cumsum3A_136 = tpu.scan <sum>, %get3A_133 masked %broadcast_in_dim3A_135 : vector<16xf32>, vector<16xi1> -> vector<16xf32>
          %broadcast_in_dim3A_137 = vector.shape_cast %broadcast_in_dim3A_3 : vector<16xi32> to vector<16x1xi32>
          %gather3A_138 = vector.shape_cast %broadcast_in_dim3A_137 : vector<16x1xi32> to vector<16xi32>
          %gather3A_139 = tpu.dynamic_gather %masked_cumsum3A_136[%gather3A_138] in [0] : vector<16xf32>, vector<16xi32> -> vector<16xf32>
          %add3A_140 = arith.addf %add3A_124, %gather3A_139 : vector<16xf32>
          %sub3A_141 = arith.subf %add3A_140, %masked_cumsum3A_136 : vector<16xf32>
          %add3A_142 = arith.addf %sub3A_141, %get3A_133 : vector<16xf32>
          %swap3A_143 = arith.index_cast %multiple_of3A_131 : i32 to index
          %swap3A_144 = tpu.vector_load %arg6[%swap3A_143] {strides = array<i32>} : memref<32768xf32, #tpu.memory_space<vmem>>, vector<16xf32>,
          tpu.vector_store %arg6[%swap3A_143], %add3A_142 {strides = array<i32>} : memref<32768xf32, #tpu.memory_space<vmem>>, vector<16xf32>,
          %add3A_145 = arith.addf %add3A_124, %gather3A_139 : vector<16xf32>
          %scan3A_146 = arith.constant 3 : i32
          %scan3A_147 = arith.addi %scan3A_89, %scan3A_146 : i32
          %sub3A_148 = arith.constant 2047 : i32
          %sub3A_149 = arith.subi %sub3A_148, %scan3A_147 : i32
          %mul3A_150 = arith.constant 16 : i32
          %mul3A_151 = arith.muli %sub3A_149, %mul3A_150 : i32
          %multiple_of3A_152 = tpu.assume_multiple %mul3A_151, 16 : i32
          %get3A_153 = arith.index_cast %multiple_of3A_152 : i32 to index
          %get3A_154 = tpu.vector_load %arg6[%get3A_153] {strides = array<i32>} : memref<32768xf32, #tpu.memory_space<vmem>>, vector<16xf32>,
          %broadcast_in_dim3A_155 = arith.constant true
          %broadcast_in_dim3A_156 = vector.broadcast %broadcast_in_dim3A_155 : i1 to vector<16xi1>
          %masked_cumsum3A_157 = tpu.scan <sum>, %get3A_154 masked %broadcast_in_dim3A_156 : vector<16xf32>, vector<16xi1> -> vector<16xf32>
          %broadcast_in_dim3A_158 = vector.shape_cast %broadcast_in_dim3A_3 : vector<16xi32> to vector<16x1xi32>
          %gather3A_159 = vector.shape_cast %broadcast_in_dim3A_158 : vector<16x1xi32> to vector<16xi32>
          %gather3A_160 = tpu.dynamic_gather %masked_cumsum3A_157[%gather3A_159] in [0] : vector<16xf32>, vector<16xi32> -> vector<16xf32>
          %add3A_161 = arith.addf %add3A_145, %gather3A_160 : vector<16xf32>
          %sub3A_162 = arith.subf %add3A_161, %masked_cumsum3A_157 : vector<16xf32>
          %add3A_163 = arith.addf %sub3A_162, %get3A_154 : vector<16xf32>
          %swap3A_164 = arith.index_cast %multiple_of3A_152 : i32 to index
          %swap3A_165 = tpu.vector_load %arg6[%swap3A_164] {strides = array<i32>} : memref<32768xf32, #tpu.memory_space<vmem>>, vector<16xf32>,
          tpu.vector_store %arg6[%swap3A_164], %add3A_163 {strides = array<i32>} : memref<32768xf32, #tpu.memory_space<vmem>>, vector<16xf32>,
          %add3A_166 = arith.addf %add3A_145, %gather3A_160 : vector<16xf32>
          %scan3A_167 = arith.constant 4 : i32
          %scan3A_168 = arith.addi %scan3A_89, %scan3A_167 : i32
          %sub3A_169 = arith.constant 2047 : i32
          %sub3A_170 = arith.subi %sub3A_169, %scan3A_168 : i32
          %mul3A_171 = arith.constant 16 : i32
          %mul3A_172 = arith.muli %sub3A_170, %mul3A_171 : i32
          %multiple_of3A_173 = tpu.assume_multiple %mul3A_172, 16 : i32
          %get3A_174 = arith.index_cast %multiple_of3A_173 : i32 to index
          %get3A_175 = tpu.vector_load %arg6[%get3A_174] {strides = array<i32>} : memref<32768xf32, #tpu.memory_space<vmem>>, vector<16xf32>,
          %broadcast_in_dim3A_176 = arith.constant true
          %broadcast_in_dim3A_177 = vector.broadcast %broadcast_in_dim3A_176 : i1 to vector<16xi1>
          %masked_cumsum3A_178 = tpu.scan <sum>, %get3A_175 masked %broadcast_in_dim3A_177 : vector<16xf32>, vector<16xi1> -> vector<16xf32>
          %broadcast_in_dim3A_179 = vector.shape_cast %broadcast_in_dim3A_3 : vector<16xi32> to vector<16x1xi32>
          %gather3A_180 = vector.shape_cast %broadcast_in_dim3A_179 : vector<16x1xi32> to vector<16xi32>
          %gather3A_181 = tpu.dynamic_gather %masked_cumsum3A_178[%gather3A_180] in [0] : vector<16xf32>, vector<16xi32> -> vector<16xf32>
          %add3A_182 = arith.addf %add3A_166, %gather3A_181 : vector<16xf32>
          %sub3A_183 = arith.subf %add3A_182, %masked_cumsum3A_178 : vector<16xf32>
          %add3A_184 = arith.addf %sub3A_183, %get3A_175 : vector<16xf32>
          %swap3A_185 = arith.index_cast %multiple_of3A_173 : i32 to index
          %swap3A_186 = tpu.vector_load %arg6[%swap3A_185] {strides = array<i32>} : memref<32768xf32, #tpu.memory_space<vmem>>, vector<16xf32>,
          tpu.vector_store %arg6[%swap3A_185], %add3A_184 {strides = array<i32>} : memref<32768xf32, #tpu.memory_space<vmem>>, vector<16xf32>,
          %add3A_187 = arith.addf %add3A_166, %gather3A_181 : vector<16xf32>
          %scan3A_188 = arith.constant 5 : i32
          %scan3A_189 = arith.addi %scan3A_89, %scan3A_188 : i32
          %sub3A_190 = arith.constant 2047 : i32
          %sub3A_191 = arith.subi %sub3A_190, %scan3A_189 : i32
          %mul3A_192 = arith.constant 16 : i32
          %mul3A_193 = arith.muli %sub3A_191, %mul3A_192 : i32
          %multiple_of3A_194 = tpu.assume_multiple %mul3A_193, 16 : i32
          %get3A_195 = arith.index_cast %multiple_of3A_194 : i32 to index
          %get3A_196 = tpu.vector_load %arg6[%get3A_195] {strides = array<i32>} : memref<32768xf32, #tpu.memory_space<vmem>>, vector<16xf32>,
          %broadcast_in_dim3A_197 = arith.constant true
          %broadcast_in_dim3A_198 = vector.broadcast %broadcast_in_dim3A_197 : i1 to vector<16xi1>
          %masked_cumsum3A_199 = tpu.scan <sum>, %get3A_196 masked %broadcast_in_dim3A_198 : vector<16xf32>, vector<16xi1> -> vector<16xf32>
          %broadcast_in_dim3A_200 = vector.shape_cast %broadcast_in_dim3A_3 : vector<16xi32> to vector<16x1xi32>
          %gather3A_201 = vector.shape_cast %broadcast_in_dim3A_200 : vector<16x1xi32> to vector<16xi32>
          %gather3A_202 = tpu.dynamic_gather %masked_cumsum3A_199[%gather3A_201] in [0] : vector<16xf32>, vector<16xi32> -> vector<16xf32>
          %add3A_203 = arith.addf %add3A_187, %gather3A_202 : vector<16xf32>
          %sub3A_204 = arith.subf %add3A_203, %masked_cumsum3A_199 : vector<16xf32>
          %add3A_205 = arith.addf %sub3A_204, %get3A_196 : vector<16xf32>
          %swap3A_206 = arith.index_cast %multiple_of3A_194 : i32 to index
          %swap3A_207 = tpu.vector_load %arg6[%swap3A_206] {strides = array<i32>} : memref<32768xf32, #tpu.memory_space<vmem>>, vector<16xf32>,
          tpu.vector_store %arg6[%swap3A_206], %add3A_205 {strides = array<i32>} : memref<32768xf32, #tpu.memory_space<vmem>>, vector<16xf32>,
          %add3A_208 = arith.addf %add3A_187, %gather3A_202 : vector<16xf32>
          %scan3A_209 = arith.constant 6 : i32
          %scan3A_210 = arith.addi %scan3A_89, %scan3A_209 : i32
          %sub3A_211 = arith.constant 2047 : i32
          %sub3A_212 = arith.subi %sub3A_211, %scan3A_210 : i32
          %mul3A_213 = arith.constant 16 : i32
          %mul3A_214 = arith.muli %sub3A_212, %mul3A_213 : i32
          %multiple_of3A_215 = tpu.assume_multiple %mul3A_214, 16 : i32
          %get3A_216 = arith.index_cast %multiple_of3A_215 : i32 to index
          %get3A_217 = tpu.vector_load %arg6[%get3A_216] {strides = array<i32>} : memref<32768xf32, #tpu.memory_space<vmem>>, vector<16xf32>,
          %broadcast_in_dim3A_218 = arith.constant true
          %broadcast_in_dim3A_219 = vector.broadcast %broadcast_in_dim3A_218 : i1 to vector<16xi1>
          %masked_cumsum3A_220 = tpu.scan <sum>, %get3A_217 masked %broadcast_in_dim3A_219 : vector<16xf32>, vector<16xi1> -> vector<16xf32>
          %broadcast_in_dim3A_221 = vector.shape_cast %broadcast_in_dim3A_3 : vector<16xi32> to vector<16x1xi32>
          %gather3A_222 = vector.shape_cast %broadcast_in_dim3A_221 : vector<16x1xi32> to vector<16xi32>
          %gather3A_223 = tpu.dynamic_gather %masked_cumsum3A_220[%gather3A_222] in [0] : vector<16xf32>, vector<16xi32> -> vector<16xf32>
          %add3A_224 = arith.addf %add3A_208, %gather3A_223 : vector<16xf32>
          %sub3A_225 = arith.subf %add3A_224, %masked_cumsum3A_220 : vector<16xf32>
          %add3A_226 = arith.addf %sub3A_225, %get3A_217 : vector<16xf32>
          %swap3A_227 = arith.index_cast %multiple_of3A_215 : i32 to index
          %swap3A_228 = tpu.vector_load %arg6[%swap3A_227] {strides = array<i32>} : memref<32768xf32, #tpu.memory_space<vmem>>, vector<16xf32>,
          tpu.vector_store %arg6[%swap3A_227], %add3A_226 {strides = array<i32>} : memref<32768xf32, #tpu.memory_space<vmem>>, vector<16xf32>,
          %add3A_229 = arith.addf %add3A_208, %gather3A_223 : vector<16xf32>
          %scan3A_230 = arith.constant 7 : i32
          %scan3A_231 = arith.addi %scan3A_89, %scan3A_230 : i32
          %sub3A_232 = arith.constant 2047 : i32
          %sub3A_233 = arith.subi %sub3A_232, %scan3A_231 : i32
          %mul3A_234 = arith.constant 16 : i32
          %mul3A_235 = arith.muli %sub3A_233, %mul3A_234 : i32
          %multiple_of3A_236 = tpu.assume_multiple %mul3A_235, 16 : i32
          %get3A_237 = arith.index_cast %multiple_of3A_236 : i32 to index
          %get3A_238 = tpu.vector_load %arg6[%get3A_237] {strides = array<i32>} : memref<32768xf32, #tpu.memory_space<vmem>>, vector<16xf32>,
          %broadcast_in_dim3A_239 = arith.constant true
          %broadcast_in_dim3A_240 = vector.broadcast %broadcast_in_dim3A_239 : i1 to vector<16xi1>
          %masked_cumsum3A_241 = tpu.scan <sum>, %get3A_238 masked %broadcast_in_dim3A_240 : vector<16xf32>, vector<16xi1> -> vector<16xf32>
          %broadcast_in_dim3A_242 = vector.shape_cast %broadcast_in_dim3A_3 : vector<16xi32> to vector<16x1xi32>
          %gather3A_243 = vector.shape_cast %broadcast_in_dim3A_242 : vector<16x1xi32> to vector<16xi32>
          %gather3A_244 = tpu.dynamic_gather %masked_cumsum3A_241[%gather3A_243] in [0] : vector<16xf32>, vector<16xi32> -> vector<16xf32>
          %add3A_245 = arith.addf %add3A_229, %gather3A_244 : vector<16xf32>
          %sub3A_246 = arith.subf %add3A_245, %masked_cumsum3A_241 : vector<16xf32>
          %add3A_247 = arith.addf %sub3A_246, %get3A_238 : vector<16xf32>
          %swap3A_248 = arith.index_cast %multiple_of3A_236 : i32 to index
          %swap3A_249 = tpu.vector_load %arg6[%swap3A_248] {strides = array<i32>} : memref<32768xf32, #tpu.memory_space<vmem>>, vector<16xf32>,
          tpu.vector_store %arg6[%swap3A_248], %add3A_247 {strides = array<i32>} : memref<32768xf32, #tpu.memory_space<vmem>>, vector<16xf32>,
          %add3A_250 = arith.addf %add3A_229, %gather3A_244 : vector<16xf32>
          %scan3A_251 = arith.constant 8 : i32
          %scan3A_252 = arith.addi %scan3A_89, %scan3A_251 : i32
          %sub3A_253 = arith.constant 2047 : i32
          %sub3A_254 = arith.subi %sub3A_253, %scan3A_252 : i32
          %mul3A_255 = arith.constant 16 : i32
          %mul3A_256 = arith.muli %sub3A_254, %mul3A_255 : i32
          %multiple_of3A_257 = tpu.assume_multiple %mul3A_256, 16 : i32
          %get3A_258 = arith.index_cast %multiple_of3A_257 : i32 to index
          %get3A_259 = tpu.vector_load %arg6[%get3A_258] {strides = array<i32>} : memref<32768xf32, #tpu.memory_space<vmem>>, vector<16xf32>,
          %broadcast_in_dim3A_260 = arith.constant true
          %broadcast_in_dim3A_261 = vector.broadcast %broadcast_in_dim3A_260 : i1 to vector<16xi1>
          %masked_cumsum3A_262 = tpu.scan <sum>, %get3A_259 masked %broadcast_in_dim3A_261 : vector<16xf32>, vector<16xi1> -> vector<16xf32>
          %broadcast_in_dim3A_263 = vector.shape_cast %broadcast_in_dim3A_3 : vector<16xi32> to vector<16x1xi32>
          %gather3A_264 = vector.shape_cast %broadcast_in_dim3A_263 : vector<16x1xi32> to vector<16xi32>
          %gather3A_265 = tpu.dynamic_gather %masked_cumsum3A_262[%gather3A_264] in [0] : vector<16xf32>, vector<16xi32> -> vector<16xf32>
          %add3A_266 = arith.addf %add3A_250, %gather3A_265 : vector<16xf32>
          %sub3A_267 = arith.subf %add3A_266, %masked_cumsum3A_262 : vector<16xf32>
          %add3A_268 = arith.addf %sub3A_267, %get3A_259 : vector<16xf32>
          %swap3A_269 = arith.index_cast %multiple_of3A_257 : i32 to index
          %swap3A_270 = tpu.vector_load %arg6[%swap3A_269] {strides = array<i32>} : memref<32768xf32, #tpu.memory_space<vmem>>, vector<16xf32>,
          tpu.vector_store %arg6[%swap3A_269], %add3A_268 {strides = array<i32>} : memref<32768xf32, #tpu.memory_space<vmem>>, vector<16xf32>,
          %add3A_271 = arith.addf %add3A_250, %gather3A_265 : vector<16xf32>
          %scan3A_272 = arith.constant 9 : i32
          %scan3A_273 = arith.addi %scan3A_89, %scan3A_272 : i32
          %sub3A_274 = arith.constant 2047 : i32
          %sub3A_275 = arith.subi %sub3A_274, %scan3A_273 : i32
          %mul3A_276 = arith.constant 16 : i32
          %mul3A_277 = arith.muli %sub3A_275, %mul3A_276 : i32
          %multiple_of3A_278 = tpu.assume_multiple %mul3A_277, 16 : i32
          %get3A_279 = arith.index_cast %multiple_of3A_278 : i32 to index
          %get3A_280 = tpu.vector_load %arg6[%get3A_279] {strides = array<i32>} : memref<32768xf32, #tpu.memory_space<vmem>>, vector<16xf32>,
          %broadcast_in_dim3A_281 = arith.constant true
          %broadcast_in_dim3A_282 = vector.broadcast %broadcast_in_dim3A_281 : i1 to vector<16xi1>
          %masked_cumsum3A_283 = tpu.scan <sum>, %get3A_280 masked %broadcast_in_dim3A_282 : vector<16xf32>, vector<16xi1> -> vector<16xf32>
          %broadcast_in_dim3A_284 = vector.shape_cast %broadcast_in_dim3A_3 : vector<16xi32> to vector<16x1xi32>
          %gather3A_285 = vector.shape_cast %broadcast_in_dim3A_284 : vector<16x1xi32> to vector<16xi32>
          %gather3A_286 = tpu.dynamic_gather %masked_cumsum3A_283[%gather3A_285] in [0] : vector<16xf32>, vector<16xi32> -> vector<16xf32>
          %add3A_287 = arith.addf %add3A_271, %gather3A_286 : vector<16xf32>
          %sub3A_288 = arith.subf %add3A_287, %masked_cumsum3A_283 : vector<16xf32>
          %add3A_289 = arith.addf %sub3A_288, %get3A_280 : vector<16xf32>
          %swap3A_290 = arith.index_cast %multiple_of3A_278 : i32 to index
          %swap3A_291 = tpu.vector_load %arg6[%swap3A_290] {strides = array<i32>} : memref<32768xf32, #tpu.memory_space<vmem>>, vector<16xf32>,
          tpu.vector_store %arg6[%swap3A_290], %add3A_289 {strides = array<i32>} : memref<32768xf32, #tpu.memory_space<vmem>>, vector<16xf32>,
          %add3A_292 = arith.addf %add3A_271, %gather3A_286 : vector<16xf32>
          %scan3A_293 = arith.constant 10 : i32
          %scan3A_294 = arith.addi %scan3A_89, %scan3A_293 : i32
          %sub3A_295 = arith.constant 2047 : i32
          %sub3A_296 = arith.subi %sub3A_295, %scan3A_294 : i32
          %mul3A_297 = arith.constant 16 : i32
          %mul3A_298 = arith.muli %sub3A_296, %mul3A_297 : i32
          %multiple_of3A_299 = tpu.assume_multiple %mul3A_298, 16 : i32
          %get3A_300 = arith.index_cast %multiple_of3A_299 : i32 to index
          %get3A_301 = tpu.vector_load %arg6[%get3A_300] {strides = array<i32>} : memref<32768xf32, #tpu.memory_space<vmem>>, vector<16xf32>,
          %broadcast_in_dim3A_302 = arith.constant true
          %broadcast_in_dim3A_303 = vector.broadcast %broadcast_in_dim3A_302 : i1 to vector<16xi1>
          %masked_cumsum3A_304 = tpu.scan <sum>, %get3A_301 masked %broadcast_in_dim3A_303 : vector<16xf32>, vector<16xi1> -> vector<16xf32>
          %broadcast_in_dim3A_305 = vector.shape_cast %broadcast_in_dim3A_3 : vector<16xi32> to vector<16x1xi32>
          %gather3A_306 = vector.shape_cast %broadcast_in_dim3A_305 : vector<16x1xi32> to vector<16xi32>
          %gather3A_307 = tpu.dynamic_gather %masked_cumsum3A_304[%gather3A_306] in [0] : vector<16xf32>, vector<16xi32> -> vector<16xf32>
          %add3A_308 = arith.addf %add3A_292, %gather3A_307 : vector<16xf32>
          %sub3A_309 = arith.subf %add3A_308, %masked_cumsum3A_304 : vector<16xf32>
          %add3A_310 = arith.addf %sub3A_309, %get3A_301 : vector<16xf32>
          %swap3A_311 = arith.index_cast %multiple_of3A_299 : i32 to index
          %swap3A_312 = tpu.vector_load %arg6[%swap3A_311] {strides = array<i32>} : memref<32768xf32, #tpu.memory_space<vmem>>, vector<16xf32>,
          tpu.vector_store %arg6[%swap3A_311], %add3A_310 {strides = array<i32>} : memref<32768xf32, #tpu.memory_space<vmem>>, vector<16xf32>,
          %add3A_313 = arith.addf %add3A_292, %gather3A_307 : vector<16xf32>
          %scan3A_314 = arith.constant 11 : i32
          %scan3A_315 = arith.addi %scan3A_89, %scan3A_314 : i32
          %sub3A_316 = arith.constant 2047 : i32
          %sub3A_317 = arith.subi %sub3A_316, %scan3A_315 : i32
          %mul3A_318 = arith.constant 16 : i32
          %mul3A_319 = arith.muli %sub3A_317, %mul3A_318 : i32
          %multiple_of3A_320 = tpu.assume_multiple %mul3A_319, 16 : i32
          %get3A_321 = arith.index_cast %multiple_of3A_320 : i32 to index
          %get3A_322 = tpu.vector_load %arg6[%get3A_321] {strides = array<i32>} : memref<32768xf32, #tpu.memory_space<vmem>>, vector<16xf32>,
          %broadcast_in_dim3A_323 = arith.constant true
          %broadcast_in_dim3A_324 = vector.broadcast %broadcast_in_dim3A_323 : i1 to vector<16xi1>
          %masked_cumsum3A_325 = tpu.scan <sum>, %get3A_322 masked %broadcast_in_dim3A_324 : vector<16xf32>, vector<16xi1> -> vector<16xf32>
          %broadcast_in_dim3A_326 = vector.shape_cast %broadcast_in_dim3A_3 : vector<16xi32> to vector<16x1xi32>
          %gather3A_327 = vector.shape_cast %broadcast_in_dim3A_326 : vector<16x1xi32> to vector<16xi32>
          %gather3A_328 = tpu.dynamic_gather %masked_cumsum3A_325[%gather3A_327] in [0] : vector<16xf32>, vector<16xi32> -> vector<16xf32>
          %add3A_329 = arith.addf %add3A_313, %gather3A_328 : vector<16xf32>
          %sub3A_330 = arith.subf %add3A_329, %masked_cumsum3A_325 : vector<16xf32>
          %add3A_331 = arith.addf %sub3A_330, %get3A_322 : vector<16xf32>
          %swap3A_332 = arith.index_cast %multiple_of3A_320 : i32 to index
          %swap3A_333 = tpu.vector_load %arg6[%swap3A_332] {strides = array<i32>} : memref<32768xf32, #tpu.memory_space<vmem>>, vector<16xf32>,
          tpu.vector_store %arg6[%swap3A_332], %add3A_331 {strides = array<i32>} : memref<32768xf32, #tpu.memory_space<vmem>>, vector<16xf32>,
          %add3A_334 = arith.addf %add3A_313, %gather3A_328 : vector<16xf32>
          %scan3A_335 = arith.constant 12 : i32
          %scan3A_336 = arith.addi %scan3A_89, %scan3A_335 : i32
          %sub3A_337 = arith.constant 2047 : i32
          %sub3A_338 = arith.subi %sub3A_337, %scan3A_336 : i32
          %mul3A_339 = arith.constant 16 : i32
          %mul3A_340 = arith.muli %sub3A_338, %mul3A_339 : i32
          %multiple_of3A_341 = tpu.assume_multiple %mul3A_340, 16 : i32
          %get3A_342 = arith.index_cast %multiple_of3A_341 : i32 to index
          %get3A_343 = tpu.vector_load %arg6[%get3A_342] {strides = array<i32>} : memref<32768xf32, #tpu.memory_space<vmem>>, vector<16xf32>,
          %broadcast_in_dim3A_344 = arith.constant true
          %broadcast_in_dim3A_345 = vector.broadcast %broadcast_in_dim3A_344 : i1 to vector<16xi1>
          %masked_cumsum3A_346 = tpu.scan <sum>, %get3A_343 masked %broadcast_in_dim3A_345 : vector<16xf32>, vector<16xi1> -> vector<16xf32>
          %broadcast_in_dim3A_347 = vector.shape_cast %broadcast_in_dim3A_3 : vector<16xi32> to vector<16x1xi32>
          %gather3A_348 = vector.shape_cast %broadcast_in_dim3A_347 : vector<16x1xi32> to vector<16xi32>
          %gather3A_349 = tpu.dynamic_gather %masked_cumsum3A_346[%gather3A_348] in [0] : vector<16xf32>, vector<16xi32> -> vector<16xf32>
          %add3A_350 = arith.addf %add3A_334, %gather3A_349 : vector<16xf32>
          %sub3A_351 = arith.subf %add3A_350, %masked_cumsum3A_346 : vector<16xf32>
          %add3A_352 = arith.addf %sub3A_351, %get3A_343 : vector<16xf32>
          %swap3A_353 = arith.index_cast %multiple_of3A_341 : i32 to index
          %swap3A_354 = tpu.vector_load %arg6[%swap3A_353] {strides = array<i32>} : memref<32768xf32, #tpu.memory_space<vmem>>, vector<16xf32>,
          tpu.vector_store %arg6[%swap3A_353], %add3A_352 {strides = array<i32>} : memref<32768xf32, #tpu.memory_space<vmem>>, vector<16xf32>,
          %add3A_355 = arith.addf %add3A_334, %gather3A_349 : vector<16xf32>
          %scan3A_356 = arith.constant 13 : i32
          %scan3A_357 = arith.addi %scan3A_89, %scan3A_356 : i32
          %sub3A_358 = arith.constant 2047 : i32
          %sub3A_359 = arith.subi %sub3A_358, %scan3A_357 : i32
          %mul3A_360 = arith.constant 16 : i32
          %mul3A_361 = arith.muli %sub3A_359, %mul3A_360 : i32
          %multiple_of3A_362 = tpu.assume_multiple %mul3A_361, 16 : i32
          %get3A_363 = arith.index_cast %multiple_of3A_362 : i32 to index
          %get3A_364 = tpu.vector_load %arg6[%get3A_363] {strides = array<i32>} : memref<32768xf32, #tpu.memory_space<vmem>>, vector<16xf32>,
          %broadcast_in_dim3A_365 = arith.constant true
          %broadcast_in_dim3A_366 = vector.broadcast %broadcast_in_dim3A_365 : i1 to vector<16xi1>
          %masked_cumsum3A_367 = tpu.scan <sum>, %get3A_364 masked %broadcast_in_dim3A_366 : vector<16xf32>, vector<16xi1> -> vector<16xf32>
          %broadcast_in_dim3A_368 = vector.shape_cast %broadcast_in_dim3A_3 : vector<16xi32> to vector<16x1xi32>
          %gather3A_369 = vector.shape_cast %broadcast_in_dim3A_368 : vector<16x1xi32> to vector<16xi32>
          %gather3A_370 = tpu.dynamic_gather %masked_cumsum3A_367[%gather3A_369] in [0] : vector<16xf32>, vector<16xi32> -> vector<16xf32>
          %add3A_371 = arith.addf %add3A_355, %gather3A_370 : vector<16xf32>
          %sub3A_372 = arith.subf %add3A_371, %masked_cumsum3A_367 : vector<16xf32>
          %add3A_373 = arith.addf %sub3A_372, %get3A_364 : vector<16xf32>
          %swap3A_374 = arith.index_cast %multiple_of3A_362 : i32 to index
          %swap3A_375 = tpu.vector_load %arg6[%swap3A_374] {strides = array<i32>} : memref<32768xf32, #tpu.memory_space<vmem>>, vector<16xf32>,
          tpu.vector_store %arg6[%swap3A_374], %add3A_373 {strides = array<i32>} : memref<32768xf32, #tpu.memory_space<vmem>>, vector<16xf32>,
          %add3A_376 = arith.addf %add3A_355, %gather3A_370 : vector<16xf32>
          %scan3A_377 = arith.constant 14 : i32
          %scan3A_378 = arith.addi %scan3A_89, %scan3A_377 : i32
          %sub3A_379 = arith.constant 2047 : i32
          %sub3A_380 = arith.subi %sub3A_379, %scan3A_378 : i32
          %mul3A_381 = arith.constant 16 : i32
          %mul3A_382 = arith.muli %sub3A_380, %mul3A_381 : i32
          %multiple_of3A_383 = tpu.assume_multiple %mul3A_382, 16 : i32
          %get3A_384 = arith.index_cast %multiple_of3A_383 : i32 to index
          %get3A_385 = tpu.vector_load %arg6[%get3A_384] {strides = array<i32>} : memref<32768xf32, #tpu.memory_space<vmem>>, vector<16xf32>,
          %broadcast_in_dim3A_386 = arith.constant true
          %broadcast_in_dim3A_387 = vector.broadcast %broadcast_in_dim3A_386 : i1 to vector<16xi1>
          %masked_cumsum3A_388 = tpu.scan <sum>, %get3A_385 masked %broadcast_in_dim3A_387 : vector<16xf32>, vector<16xi1> -> vector<16xf32>
          %broadcast_in_dim3A_389 = vector.shape_cast %broadcast_in_dim3A_3 : vector<16xi32> to vector<16x1xi32>
          %gather3A_390 = vector.shape_cast %broadcast_in_dim3A_389 : vector<16x1xi32> to vector<16xi32>
          %gather3A_391 = tpu.dynamic_gather %masked_cumsum3A_388[%gather3A_390] in [0] : vector<16xf32>, vector<16xi32> -> vector<16xf32>
          %add3A_392 = arith.addf %add3A_376, %gather3A_391 : vector<16xf32>
          %sub3A_393 = arith.subf %add3A_392, %masked_cumsum3A_388 : vector<16xf32>
          %add3A_394 = arith.addf %sub3A_393, %get3A_385 : vector<16xf32>
          %swap3A_395 = arith.index_cast %multiple_of3A_383 : i32 to index
          %swap3A_396 = tpu.vector_load %arg6[%swap3A_395] {strides = array<i32>} : memref<32768xf32, #tpu.memory_space<vmem>>, vector<16xf32>,
          tpu.vector_store %arg6[%swap3A_395], %add3A_394 {strides = array<i32>} : memref<32768xf32, #tpu.memory_space<vmem>>, vector<16xf32>,
          %add3A_397 = arith.addf %add3A_376, %gather3A_391 : vector<16xf32>
          %scan3A_398 = arith.constant 15 : i32
          %scan3A_399 = arith.addi %scan3A_89, %scan3A_398 : i32
          %sub3A_400 = arith.constant 2047 : i32
          %sub3A_401 = arith.subi %sub3A_400, %scan3A_399 : i32
          %mul3A_402 = arith.constant 16 : i32
          %mul3A_403 = arith.muli %sub3A_401, %mul3A_402 : i32
          %multiple_of3A_404 = tpu.assume_multiple %mul3A_403, 16 : i32
          %get3A_405 = arith.index_cast %multiple_of3A_404 : i32 to index
          %get3A_406 = tpu.vector_load %arg6[%get3A_405] {strides = array<i32>} : memref<32768xf32, #tpu.memory_space<vmem>>, vector<16xf32>,
          %broadcast_in_dim3A_407 = arith.constant true
          %broadcast_in_dim3A_408 = vector.broadcast %broadcast_in_dim3A_407 : i1 to vector<16xi1>
          %masked_cumsum3A_409 = tpu.scan <sum>, %get3A_406 masked %broadcast_in_dim3A_408 : vector<16xf32>, vector<16xi1> -> vector<16xf32>
          %broadcast_in_dim3A_410 = vector.shape_cast %broadcast_in_dim3A_3 : vector<16xi32> to vector<16x1xi32>
          %gather3A_411 = vector.shape_cast %broadcast_in_dim3A_410 : vector<16x1xi32> to vector<16xi32>
          %gather3A_412 = tpu.dynamic_gather %masked_cumsum3A_409[%gather3A_411] in [0] : vector<16xf32>, vector<16xi32> -> vector<16xf32>
          %add3A_413 = arith.addf %add3A_397, %gather3A_412 : vector<16xf32>
          %sub3A_414 = arith.subf %add3A_413, %masked_cumsum3A_409 : vector<16xf32>
          %add3A_415 = arith.addf %sub3A_414, %get3A_406 : vector<16xf32>
          %swap3A_416 = arith.index_cast %multiple_of3A_404 : i32 to index
          %swap3A_417 = tpu.vector_load %arg6[%swap3A_416] {strides = array<i32>} : memref<32768xf32, #tpu.memory_space<vmem>>, vector<16xf32>,
          tpu.vector_store %arg6[%swap3A_416], %add3A_415 {strides = array<i32>} : memref<32768xf32, #tpu.memory_space<vmem>>, vector<16xf32>,
          %add3A_418 = arith.addf %add3A_397, %gather3A_412 : vector<16xf32>
          scf.yield %add3A_418 : vector<16xf32>
        }
        %scan3A_81 = arith.constant 2048 : i32
        %add3A_82 = arith.addi %mul3A_2, %add3A_54 : i32
        %dma_start3A_83 = arith.constant 0 : i32
        %dma_start3A_84 = tpu.memref_slice %arg3[%add3A_82, %dma_start3A_83] : memref<1024x32768xf32, #tpu.memory_space<hbm>> -> memref<1x32768xf32, #tpu.memory_space<hbm>>
        %dma_start3A_85 = tpu.memref_squeeze %dma_start3A_84 : memref<1x32768xf32, #tpu.memory_space<hbm>> -> memref<32768xf32, #tpu.memory_space<hbm>>
        %dma_start3A_86 = arith.constant 0 : i32
        %dma_start3A_87 = tpu.memref_slice %arg3[%add3A_82, %dma_start3A_86] : memref<1024x32768xf32, #tpu.memory_space<hbm>> -> memref<1x32768xf32, #tpu.memory_space<hbm>>
        %dma_start3A_88 = tpu.memref_squeeze %dma_start3A_87 : memref<1x32768xf32, #tpu.memory_space<hbm>> -> memref<32768xf32, #tpu.memory_space<hbm>>
        tpu.enqueue_dma source(%arg6 : memref<32768xf32, #tpu.memory_space<vmem>>) target(%dma_start3A_88 : memref<32768xf32, #tpu.memory_space<hbm>>) target_semaphore(%arg12 : memref<!tpu.dma_semaphore, #tpu.memory_space<semaphore_mem>>)
      } else {
      }
      %scan3A_60 = arith.constant 0 : i32
      scf.yield %scan3A_60 : i32
    }
    %scan3A_16 = arith.constant 11 : i32
    %dma_wait3A = arith.constant 0 : i32
    %dma_wait3A_17 = tpu.memref_slice %arg3[%mul3A_2, %dma_wait3A] : memref<1024x32768xf32, #tpu.memory_space<hbm>> -> memref<1x32768xf32, #tpu.memory_space<hbm>>
    %dma_wait3A_18 = tpu.memref_squeeze %dma_wait3A_17 : memref<1x32768xf32, #tpu.memory_space<hbm>> -> memref<32768xf32, #tpu.memory_space<hbm>>
    %dma_wait3A_19 = arith.constant 0 : i32
    %dma_wait3A_20 = tpu.memref_slice %arg3[%mul3A_2, %dma_wait3A_19] : memref<1024x32768xf32, #tpu.memory_space<hbm>> -> memref<1x32768xf32, #tpu.memory_space<hbm>>
    %dma_wait3A_21 = tpu.memref_squeeze %dma_wait3A_20 : memref<1x32768xf32, #tpu.memory_space<hbm>> -> memref<32768xf32, #tpu.memory_space<hbm>>
    tpu.wait_dma2 semaphore(%arg12 : memref<!tpu.dma_semaphore, #tpu.memory_space<semaphore_mem>>) src(%arg6 : memref<32768xf32, #tpu.memory_space<vmem>>) dst(%dma_wait3A_21 : memref<32768xf32, #tpu.memory_space<hbm>>)
    %dma_wait3A_22 = arith.constant 0 : i32
    %dma_wait3A_23 = tpu.memref_slice %arg3[%mul3A_2, %dma_wait3A_22] : memref<1024x32768xf32, #tpu.memory_space<hbm>> -> memref<1x32768xf32, #tpu.memory_space<hbm>>
    %dma_wait3A_24 = tpu.memref_squeeze %dma_wait3A_23 : memref<1x32768xf32, #tpu.memory_space<hbm>> -> memref<32768xf32, #tpu.memory_space<hbm>>
    %dma_wait3A_25 = arith.constant 0 : i32
    %dma_wait3A_26 = tpu.memref_slice %arg3[%mul3A_2, %dma_wait3A_25] : memref<1024x32768xf32, #tpu.memory_space<hbm>> -> memref<1x32768xf32, #tpu.memory_space<hbm>>
    %dma_wait3A_27 = tpu.memref_squeeze %dma_wait3A_26 : memref<1x32768xf32, #tpu.memory_space<hbm>> -> memref<32768xf32, #tpu.memory_space<hbm>>
    tpu.wait_dma2 semaphore(%arg10 : memref<!tpu.dma_semaphore, #tpu.memory_space<semaphore_mem>>) src(%arg4 : memref<32768xf32, #tpu.memory_space<vmem>>) dst(%dma_wait3A_27 : memref<32768xf32, #tpu.memory_space<hbm>>)
    %dma_wait3A_28 = arith.constant 0 : i32
    %dma_wait3A_29 = tpu.memref_slice %arg3[%mul3A_2, %dma_wait3A_28] : memref<1024x32768xf32, #tpu.memory_space<hbm>> -> memref<1x32768xf32, #tpu.memory_space<hbm>>
    %dma_wait3A_30 = tpu.memref_squeeze %dma_wait3A_29 : memref<1x32768xf32, #tpu.memory_space<hbm>> -> memref<32768xf32, #tpu.memory_space<hbm>>
    %dma_wait3A_31 = arith.constant 0 : i32
    %dma_wait3A_32 = tpu.memref_slice %arg3[%mul3A_2, %dma_wait3A_31] : memref<1024x32768xf32, #tpu.memory_space<hbm>> -> memref<1x32768xf32, #tpu.memory_space<hbm>>
    %dma_wait3A_33 = tpu.memref_squeeze %dma_wait3A_32 : memref<1x32768xf32, #tpu.memory_space<hbm>> -> memref<32768xf32, #tpu.memory_space<hbm>>
    tpu.wait_dma2 semaphore(%arg11 : memref<!tpu.dma_semaphore, #tpu.memory_space<semaphore_mem>>) src(%arg5 : memref<32768xf32, #tpu.memory_space<vmem>>) dst(%dma_wait3A_33 : memref<32768xf32, #tpu.memory_space<hbm>>)
    return
  }
}

</mosaic_0001>

<sc_bundles>
// kernel: kernel.3.cloned.1.call-start
scs
__scs_entry_jumppad:
0x0: {  	(pc) =	sbr.rel $0x88, $3  }
0x1: {  	(tag) =	ssettag $0x0;
	lr =	simm.s32 $0x1  }
0x2: {  	[smem:$0x3FA0] =	sst lr;
	_ =	strace $0xD0000000  }
0x3: {  	_ = 	snop  }
0x4: {  	_ = 	snop  }
0x5: {  	_ = 	snop  }
0x6: {  	_ = 	snop  }
0x7: {  	_ = 	snop  }
__scs_overlays_trampoline_lowered:
0x8: {  	[smem:$0x3FAF] =	sst s0  }
0x9: {  	[smem:$0x3FB0] =	sst s1  }
0xa: {  	[smem:$0x3FB1] =	sst s2  }
0xb: {  	[smem:$0x3FB2] =	sst s3  }
0xc: {  	[smem:$0x3FB3] =	sst s4  }
0xd: {  	[smem:$0x3FB4] =	sst s5  }
0xe: {  	[smem:$0x3FB5] =	sst s6  }
0xf: {  	[smem:$0x3FB6] =	sst s7  }
0x10: {  	[smem:$0x3FB7] =	sst s8  }
0x11: {  	[smem:$0x3FB8] =	sst s9;
	s0 =	simm.s32 @!p0 $0x0  }
0x12: {  	s1 =	sld [smem:$0x3F9E];
	s0 =	simm.s32 @p0 $0x1  }
0x13: {  	[smem:$0x3FB9] =	sst s0;
	s0 =	simm.s32 @!p1 $0x0  }
0x14: {  	s2 =	sld [smem:$0x3F9D];
	s0 =	simm.s32 @p1 $0x1  }
0x15: {  	[smem:$0x3FBA] =	sst s0;
	s0 =	simm.s32 @!p2 $0x0  }
0x16: {  	s3 =	sld [smem:$0x3FDB];
	s0 =	simm.s32 @p2 $0x1  }
0x17: {  	s4 =	simm.s32 $0x1BF5;
	[smem:$0x3FBC] =	sst s0  }
0x18: {  	s0 =	sld [smem:$0x3F9F];
	_ =	swait.ge [sflag:s4], $0x0  }
0x19: {  	s7 =	sld [smem:$0x3FA0]  }
0x1a: {  	s8 =	sadd.s32 $0xFFFFE003, lr  }
0x1b: {  	s9 =	sadd.s32 $0xFFFFFEF7, lr;
	s5 =	simm.s32 $0xFFFFFFFF;
	p2 =	slt.u32 s8, $0xFFFFF086  }
0x1c: {  	p1 =	slt.u32 s9, $0xF7A;
	s5 =	simm.s32 @!p2 $0x0  }
0x1d: {  	s5 =	simm.s32 @p1 $0x1;
	p0 =	seq.s32 s7, s2  }
0x1e: {  	s7 =	smul.u32 @!p0 $0xF7A, s2;
	p2 =	seq.s32 @!p0 s5, $0x0  }
0x1f: {  	s9 =	smul.u32 $0xF7A, s1;
	s8 =	simm.s32 @!p0 $0x1BF5;
	p2 =	por !p2, p0  }
0x20: {  	[sflag:s8] =	ssyncset.s32 @!p0 $0xFFFFF086;
	s6 =	sadd.s32 @!p0 s3, s7;
	s7 =	simm.s32 @!p0 $0x108  }
0x21: {  	s3 =	sadd.s32 s3, s9;
	s6 =	sadd.s32 @!p0 $0x88, s6;
	s7 =	simm.s32 @p2 $0x1082  }
0x22: {  	[simem:s7], [sflag:s8] =	dma.local @!p0 [hbm:s6], $0xF7A  }
0x23: {  	s9 =	sor.u32 $0xD0000000, s2;
	s6 =	simm.s32 $0x108;
	_ =	swait.ge @!p0 [sflag:s8], $0x0  }
0x24: {  	s3 =	sadd.s32 $0x88, s3;
	s6 =	simm.s32 @!p1 $0x1082;
	[sflag:s4] =	ssyncset.s32 $0xFFFFF086  }
0x25: {  	[simem:s6], [sflag:s4] =	dma.local [hbm:s3], $0xF7A  }
0x26: {  	[smem:$0x3FA0] =	sst s1;
	(tag) =	ssettag s2;
	_ =	strace s9  }
0x27: {  	s1 =	sld [smem:$0x3FB0]  }
0x28: {  	s2 =	sld [smem:$0x3FB1]  }
0x29: {  	s4 =	sld [smem:$0x3FB3]  }
0x2a: {  	p0 =	seq.s32 s5, $0x0;
	s5 =	sld [smem:$0x3FB4]  }
0x2b: {  	s6 =	sld [smem:$0x3FB5]  }
0x2c: {  	s7 =	sld [smem:$0x3FB6]  }
0x2d: {  	s3 =	simm.s32 $0x108;
	s8 =	sld [smem:$0x3FB7]  }
0x2e: {  	s3 =	simm.s32 @!p0 $0x1082;
	s9 =	sld [smem:$0x3FB8]  }
0x2f: {  	lr =	sadd.s32 s0, s3;
	s0 =	sld [smem:$0x3FAF]  }
0x30: {  	s3 =	sld [smem:$0x3FB2]  }
0x31: {  	[smem:$0x3FBB] =	sst s10  }
0x32: {  	s10 =	sld [smem:$0x3FB9];
	_ =	sdelay $0x3  }
0x33: {  	p0 =	seq.s32 s10, $0x1;
	s10 =	sld [smem:$0x3FBB];
	_ =	sdelay $0x3  }
0x34: {  	[smem:$0x3FBB] =	sst s10  }
0x35: {  	s10 =	sld [smem:$0x3FBA];
	_ =	sdelay $0x3  }
0x36: {  	p1 =	seq.s32 s10, $0x1;
	s10 =	sld [smem:$0x3FBB];
	_ =	sdelay $0x3  }
0x37: {  	[smem:$0x3FBB] =	sst s10  }
0x38: {  	s10 =	sld [smem:$0x3FBC]  }
0x39: {  	_ = 	snop;
	(pc) =	sbr.ind lr, $3  }
0x3a: {  	_ = 	snop  }
0x3b: {  	_ = 	snop  }
0x3c: {  	p2 =	seq.s32 s10, $0x1;
	s10 =	sld [smem:$0x3FBB]  }
0x3d: {  	_ =	shalt  }
0x3e: {  	_ =	shalt  }
0x3f: {  	_ =	shalt  }
0x40: {  	_ =	shalt  }
0x41: {  	_ =	shalt  }
0x42: {  	_ =	shalt  }
0x43: {  	_ =	shalt  }
0x44: {  	_ =	shalt  }
0x45: {  	_ =	shalt  }
0x46: {  	_ =	shalt  }
0x47: {  	_ =	shalt  }
0x48: {  	_ =	shalt  }
0x49: {  	_ =	shalt  }
0x4a: {  	_ =	shalt  }
0x4b: {  	_ =	shalt  }
0x4c: {  	_ =	shalt  }
0x4d: {  	_ =	shalt  }
0x4e: {  	_ =	shalt  }
0x4f: {  	_ =	shalt  }
0x50: {  	_ =	shalt  }
0x51: {  	_ =	shalt  }
0x52: {  	_ =	shalt  }
0x53: {  	_ =	shalt  }
0x54: {  	_ =	shalt  }
0x55: {  	_ =	shalt  }
0x56: {  	_ =	shalt  }
0x57: {  	_ =	shalt  }
0x58: {  	_ =	shalt  }
0x59: {  	_ =	shalt  }
0x5a: {  	_ =	shalt  }
0x5b: {  	_ =	shalt  }
0x5c: {  	_ =	shalt  }
0x5d: {  	_ =	shalt  }
0x5e: {  	_ =	shalt  }
0x5f: {  	_ =	shalt  }
0x60: {  	_ =	shalt  }
0x61: {  	_ =	shalt  }
0x62: {  	_ =	shalt  }
0x63: {  	_ =	shalt  }
0x64: {  	_ =	shalt  }
0x65: {  	_ =	shalt  }
0x66: {  	_ =	shalt  }
0x67: {  	_ =	shalt  }
0x68: {  	_ =	shalt  }
0x69: {  	_ =	shalt  }
0x6a: {  	_ =	shalt  }
0x6b: {  	_ =	shalt  }
0x6c: {  	_ =	shalt  }
0x6d: {  	_ =	shalt  }
0x6e: {  	_ =	shalt  }
0x6f: {  	_ =	shalt  }
0x70: {  	_ =	shalt  }
0x71: {  	_ =	shalt  }
0x72: {  	_ =	shalt  }
0x73: {  	_ =	shalt  }
0x74: {  	_ =	shalt  }
0x75: {  	_ =	shalt  }
0x76: {  	_ =	shalt  }
0x77: {  	_ =	shalt  }
0x78: {  	_ =	shalt  }
0x79: {  	_ =	shalt  }
0x7a: {  	_ =	shalt  }
0x7b: {  	_ =	shalt  }
0x7c: {  	_ =	shalt  }
0x7d: {  	_ =	shalt  }
0x7e: {  	_ =	shalt  }
0x7f: {  	_ =	shalt  }
0x80: {  	_ =	shalt  }
0x81: {  	_ =	shalt  }
0x82: {  	_ =	shalt  }
0x83: {  	_ =	shalt  }
0x84: {  	_ =	shalt  }
0x85: {  	_ =	shalt  }
0x86: {  	_ =	shalt  }
0x87: {  	_ =	shalt  }
.Lfunc_end0:
.L_simem_size_0:
called_computation_lowered:
.L_overlay_start_0:
0x88: {  	s2 =	sld [smem:$0x3FD9]  }
0x89: {  	s3 =	sld [smem:$0x3FFE];
	_ =	sdelay $0x1  }
0x8a: {  	s1 =	srdreg.scid  }
0x8b: {  	s0 =	sand.u32 $0x1, s1  }
0x8c: {  	s18 =	sshll.u32 s0, $0xA;
	s2 =	sadd.s32 s3, s2  }
0x8d: {  	s2 =	sadd.s32 s2, s18  }
0x8e: {  	[smem:$0x3FC7] =	sst s2  }
0x8f: {  	_ = 	snop  }
0x90: {  	s2 =	sld [smem:$0x3FC9]  }
0x91: {  	s19 =	sld [smem:$0x3FD0];
	(tm) =	ssettm $0x1  }
0x92: {  	s4 =	sld [smem:$0x3FFB];
	_ =	sdelay $0x3  }
0x93: {  	_ =	strace s4  }
0x94: {  	s4 =	sld [smem:$0x3FFC];
	_ =	sdelay $0x3  }
0x95: {  	_ =	strace s4  }
0x96: {  	s4 =	sld [smem:$0x3FFD];
	_ =	sdelay $0x3  }
0x97: {  	_ =	strace s4  }
0x98: {  	_ =	strace $0x8FFFFFFF  }
0x99: {  	s20 =	sld [smem:$0x3FDB];
	_ =	sdelay $0x1  }
0x9a: {  	s5 =	simm.s32 $_scs_section_size  }
0x9b: {  	s6 =	simm.s32 $_size__tile_overlayer_lowered;
	s7 =	simm.s32 $_tile_overlayer_lowered  }
0x9c: {  	s23 =	simm.s32 $0x1BFF;
	s22 =	sshll.u32 s7, $0x1;
	s4 =	sadd.s32 s5, s20  }
0x9d: {  	s8 =	simm.s32 $0x0;
	s21 =	sshll.u32 s6, $0x1;
	s6 =	sadd.s32 s22, s4  }
0x9e: {  	[timem:s8], [sflag:s23] =	dma.local [hbm:s6], s21  }
0x9f: {  	_ =	swait.ge [sflag:s23], s21  }
0xa0: {  	s5 =	ssub.s32 $0x0, s21;
	[sflag:s23] =	ssyncset.done $0x0  }
0xa1: {  	[sflag:s23] =	ssyncadd.s32 s5;
	_ =	sdelay $0x1  }
0xa2: {  	s24 =	simm.s32 $0x1B8B  }
0xa3: {  	_ =	swait.ge [sflag:s24], $0x1  }
0xa4: {  	[sflag:s24] =	ssyncset.done $0x0  }
0xa5: {  	s25 =	simm.s32 $0x1B8E;
	[sflag:s24] =	ssyncadd.s32 $0xFFFFFFFF  }
0xa6: {  	s26 =	simm.s32 $execute0_lowered;
	[smem:$0x3FD2] =	sst s25  }
0xa7: {  	s5 =	sshll.u32 s26, $0x1;
	_ =	strace $0x80000046;
	[dreg:$0x1] =	wrdreg $0xFFFFFFFF  }
0xa8: {  	s28 =	simm.s32 $_size_execute0_lowered;
	s4 =	sadd.s32 s4, s5;
	[dreg:$0x0] =	wrdreg $0x0  }
0xa9: {  	s5 =	sshll.u32 s28, $0x1;
	[dreg:$0x2] =	wrdreg s4  }
0xaa: {  	[dreg:$0x3] =	wrdreg s5  }
0xab: {  	[dreg:$0x4] =	wrdreg $0xC0  }
0xac: {  	_ =	task [dreg:s8], $0x5FFFF  }
0xad: {  	[dreg:$0x1] =	wrdreg $0xFFFFFFFF  }
0xae: {  	[dreg:$0x0] =	wrdreg $0x60  }
0xaf: {  	[dreg:$0x2] =	wrdreg s2  }
0xb0: {  	[dreg:$0x3] =	wrdreg s19  }
0xb1: {  	[dreg:$0x4] =	wrdreg $0x9  }
0xb2: {  	_ =	task.clear_ibuf [dreg:s8], $0x5FFFF;
	_ =	strace $0x90000046  }
0xb3: {  	s29 =	simm.s32 $0x9;
	_ =	strace $0x80000048  }
0xb4: {  	_ =	swait.ge [sflag:s29], $0x1  }
0xb5: {  	[sflag:s29] =	ssyncadd.s32 $0xFFFFFFFF  }
0xb6: {  	_ =	strace $0x90000048  }
0xb7: {  	_ =	sfence  }
0xb8: {  	s30 =	sld [smem:$0x0];
	_ =	sdelay $0x2  }
0xb9: {  	s31 =	sshll.u32 s1, $0xD;
	s1 =	sshrl.u32 s1, $0x2  }
0xba: {  	s3 =	sand.u32 $0x4000, s31;
	s1 =	sadd.s32 s1, s30  }
0xbb: {  	s0 =	sor.u32 s3, s0;
	s1 =	sshll.u32 s1, $0x11  }
0xbc: {  	s0 =	sor.u32 s1, s0  }
0xbd: {  	s0 =	sadd.s32 $0x8F2B, s0  }
0xbe: {  	[sflag:s0] =	ssyncadd.remote.s32 $0x1  }
0xbf: {  	_ =	sfence.sel $0xFFFF  }
0xc0: {  	[dreg:$0x0] =	wrdreg $0xFFFFFFFF;
	(pc) =	sbr.abs _section_cstart, $3  }
0xc1: {  	[dreg:$0x1] =	wrdreg $0xFFFFFFFF  }
0xc2: {  	_ =	task.clear_ibuf [dreg:s8], $0x2FFFF;
	_ =	strace $0x9FFFFFFF  }
0xc3: {  	(tm) =	ssettm $0x7FFFFFFF  }
tec
execute0_lowered:
.L_overlay_start_1:
0x0: {  	(tag) =	ssettag $0x1  }
0x1: {  	s2 =	rddreg [dreg:$0x0]  }
0x2: {  	s0 =	srdreg.scid;
	s3 =	rddreg [dreg:$0x1]  }
0x3: {  	s1 =	stileid.u32;
	s4 =	simm.s32 $0x0;
	s9 =	simm.s32 $0x400  }
0x4: {  	s10 =	simm.s32 $0x1;
	s11 =	simm.s32 $0x8000;
	s12 =	simm.s32 $0x2  }
0x5: {  	s13 =	simm.s32 $0x10000;
	s14 =	simm.s32 $0x6;
	s15 =	simm.s32 $0x4  }
0x6: {  	s16 =	simm.s32 $0x5;
	s17 =	simm.s32 $0x3;
	s18 =	simm.s32 $0x0  }
.Ltmp0:
0x7: {  	s5 =	sand.u32 $0x1, s0;
	s0 =	rddreg [dreg:$0x2];
	(pc) =	sbr.rel .LBB2_1-.Ltmp0, $4  }
0x8: {  	s6 =	sshll.u32 s1, $0x6;
	s7 =	sshll.u32 s5, $0x5;
	s8 =	ssub.s32 $0x2, s5  }
0x9: {  	[smem:$0x7FF] =	sst s4;
	s5 =	sor.u32 s7, s6;
	s31 =	sshrl.u32 s8, $0x1  }
0xa: {  	_ =	strace $0x80000047;
	s7 =	sshll.u32 s5, $0xC;
	s8 =	ssub.s32 s8, s31  }
0xb: {  	v0 =	vimm.s32 $0xF;
	s6 =	sadd.s32 s2, s7;
	s7 =	smax.u32 s8, $0x1;
	s8 =	simm.s32 $0x80  }
.LBB2_14:
0xc: {  	_ =	swait.ge [sflag:s14], $0x8000  }
0xd: {  	[sflag:s14] =	ssyncset.done $0x0  }
0xe: {  	s18 =	sadd.s32 $0x1, s18;
	[sflag:s14] =	ssyncadd.s32 $0xFFFF8000  }
0xf: {  	p0 =	sne.s32 s18, s7;
	_ =	swait.ge [sflag:s15], $0x8000  }
.Ltmp1:
0x10: {  	[sflag:s15] =	ssyncset.done $0x0;
	(pc) =	sbr.rel @!p0 .LBB2_15-.Ltmp1, $4  }
0x11: {  	[sflag:s15] =	ssyncadd.s32 $0xFFFF8000  }
0x12: {  	_ =	swait.ge [sflag:s16], $0x8000  }
0x13: {  	[sflag:s16] =	ssyncset.done $0x0  }
0x14: {  	[sflag:s16] =	ssyncadd.s32 $0xFFFF8000  }
.LBB2_1:
0x15: {  	[tilespmem:s4], [sflag:$0x1] =	stream.strided.gather [hbm4b:s6+s8], $0x8000, s9, s8, $0x38;
	[tilespmem:$0x18000] =	vst v63  }
0x16: {  	s19 =	simm.s32 $0x0  }
.LBB2_2:
0x17: {  	s20 =	smul.u32 $0x3, s19;
	_ =	sdelay $0x1  }
0x18: {  	_ =	swait.ge [sflag:s10], $0x8000;
	p0 =	seq.s32 s19, $0x0;
	s21 =	sadd.s32 $0x1, s20  }
0x19: {  	[sflag:s10] =	ssyncset.done $0x0;
	s23 =	simm.s32 @!p0 $0x5;
	s22 =	sadd.s32 s5, s21  }
0x1a: {  	[sflag:s10] =	ssyncadd.s32 $0xFFFF8000;
	s21 =	sshll.u32 s21, $0x4;
	s22 =	sshll.u32 s22, $0xC  }
0x1b: {  	_ =	swait.ge @!p0 [sflag:s23], $0x8000;
	s21 =	sand.u32 $0x70, s21;
	s22 =	sand.u32 $0x7F8000, s22  }
0x1c: {  	[sflag:s23] =	ssyncset.done @!p0 $0x0;
	s22 =	sor.u32 s21, s22  }
0x1d: {  	[sflag:s23] =	ssyncadd.s32 @!p0 $0xFFFF8000;
	s21 =	sadd.s32 s2, s22  }
0x1e: {  	[tilespmem:s11], [sflag:$0x2] =	stream.strided.gather [hbm4b:s21+s8], $0x8000, s9, s8, $0x38;
	[tilespmem:$0x18000] =	vst v63  }
0x1f: {  	s21 =	simm.s32 $0x7F00  }
0x20: {  	v10 =	vld [tilespmem:s21+$0xE0]  }
0x21: {  	v11 =	vld [tilespmem:s21+$0xD0]  }
0x22: {  	v12 =	vld [tilespmem:s21+$0xC0]  }
0x23: {  	v13 =	vld [tilespmem:s21+$0xB0]  }
0x24: {  	v1 =	vld [tilespmem:s21+$0xA0]  }
0x25: {  	v6 =	vld [tilespmem:s21+$0xF0];
	(xrf2) =	vadd.scan.msk.f32 $0xffff, v10  }
0x26: {  	(xrf2) =	vadd.scan.msk.f32 $0xffff, v11  }
0x27: {  	(xrf2) =	vadd.scan.msk.f32 $0xffff, v12  }
0x28: {  	(xrf2) =	vadd.scan.msk.f32 $0xffff, v13  }
0x29: {  	(xrf2) =	vadd.scan.msk.f32 $0xffff, v1  }
0x2a: {  	(xrf2) =	vadd.scan.msk.f32 $0xffff, v6;
	_ =	sdelay $0x4  }
0x2b: {  	v14, _, _ =	vpop (xrf2)  }
0x2c: {  	v9 =	vld [tilespmem:s21+$0x90];
	v15, _, _ =	vpop (xrf2)  }
0x2d: {  	v16, _, _ =	vpop (xrf2)  }
0x2e: {  	v8 =	vld [tilespmem:s21+$0x80];
	v17, _, _ =	vpop (xrf2)  }
0x2f: {  	v7 =	vld [tilespmem:s21+$0x70];
	v19, _, _ =	vpop (xrf2)  }
0x30: {  	v4, _, _ =	vpop (xrf2)  }
0x31: {  	(xrf2) =	vadd.scan.msk.f32 $0xffff, v9;
	v5 =	vperm.xlane v4, v0  }
0x32: {  	v18 =	vimm.f32 $0.0e+00  }
0x33: {  	(xrf2) =	vadd.scan.msk.f32 $0xffff, v8;
	v5 =	vadd.f32 v5, v18;
	v18 =	vperm.xlane v14, v0  }
0x34: {  	v3 =	vld [tilespmem:s21+$0x60];
	(xrf2) =	vadd.scan.msk.f32 $0xffff, v7  }
0x35: {  	v2 =	vld [tilespmem:s21+$0x50];
	v20 =	vperm.xlane v15, v0;
	v18 =	vadd.f32 v18, v5  }
0x36: {  	v22 =	vsub.f32 v5, v4;
	v5 =	vld [tilespmem:s21+$0x40]  }
0x37: {  	v21 =	vperm.xlane v16, v0;
	v23 =	vperm.xlane v17, v0;
	v20 =	vadd.f32 v20, v18;
	_ =	sdelay $0x1  }
0x38: {  	(xrf2) =	vadd.scan.msk.f32 $0xffff, v3;
	v4 =	vld [tilespmem:s21+$0x30];
	v21 =	vadd.f32 v21, v20  }
0x39: {  	(xrf2) =	vadd.scan.msk.f32 $0xffff, v2  }
0x3a: {  	v14 =	vsub.f32 v18, v14;
	v18 =	vadd.f32 v23, v21;
	v23, _, _ =	vpop (xrf2);
	(xrf2) =	vadd.scan.msk.f32 $0xffff, v5  }
0x3b: {  	v22 =	vadd.f32 v22, v6;
	v6 =	vld [tilespmem:s21+$0x20]  }
0x3c: {  	v15 =	vsub.f32 v20, v15;
	v21 =	vsub.f32 v21, v16;
	v16, _, _ =	vpop (xrf2)  }
0x3d: {  	v20 =	vperm.xlane v19, v0;
	[tilespmem:s21+$0xF0] =	vst v22;
	v22 =	vsub.f32 v18, v17;
	v17, _, _ =	vpop (xrf2);
	(xrf2) =	vadd.scan.msk.f32 $0xffff, v4  }
0x3e: {  	v14 =	vadd.f32 v14, v10;
	v10 =	vld [tilespmem:s21+$0x10]  }
0x3f: {  	v11 =	vadd.f32 v15, v11;
	v15 =	vadd.f32 v20, v18;
	v20 =	vperm.xlane v23, v0  }
0x40: {  	[tilespmem:s21+$0xE0] =	vst v14;
	v12 =	vadd.f32 v21, v12;
	(xrf2) =	vadd.scan.msk.f32 $0xffff, v6  }
0x41: {  	[tilespmem:s21+$0xD0] =	vst v11;
	v21 =	vperm.xlane v16, v0;
	v11 =	vld [tilespmem:s21+$0x0];
	v20 =	vadd.f32 v20, v15  }
0x42: {  	v18, _, _ =	vpop (xrf2);
	v14 =	vsub.f32 v15, v19;
	[tilespmem:s21+$0xC0] =	vst v12;
	v13 =	vadd.f32 v22, v13  }
0x43: {  	s24 =	simm.s32 $0x7E00;
	s23 =	simm.s32 $0x0;
	(xrf2) =	vadd.scan.msk.f32 $0xffff, v10;
	v19, _, _ =	vpop (xrf2);
	v15 =	vsub.f32 v20, v23;
	v20 =	vadd.f32 v21, v20;
	v21 =	vperm.xlane v17, v0  }
.LBB2_3:
0x44: {  	v12 =	vld [tilespmem:s24+$0xE0];
	[tilespmem:s21+$0xB0] =	vst v13;
	v1 =	vadd.f32 v14, v1;
	v22, _, _ =	vpop (xrf2)  }
0x45: {  	v14 =	vsub.f32 v20, v16;
	v16 =	vadd.f32 v21, v20;
	v20 =	vperm.xlane v18, v0  }
0x46: {  	[tilespmem:s21+$0xA0] =	vst v1;
	v1 =	vadd.f32 v15, v9;
	(xrf2) =	vadd.scan.msk.f32 $0xffff, v11  }
0x47: {  	v13 =	vld [tilespmem:s24+$0xD0];
	v9 =	vsub.f32 v16, v17;
	v15 =	vadd.f32 v20, v16;
	v16 =	vperm.xlane v19, v0;
	v17, _, _ =	vpop (xrf2)  }
0x48: {  	[tilespmem:s21+$0x90] =	vst v1;
	v1 =	vadd.f32 v14, v8  }
0x49: {  	(xrf2) =	vadd.scan.msk.f32 $0xffff, v12;
	v8 =	vsub.f32 v15, v18;
	v15 =	vadd.f32 v16, v15;
	v16 =	vperm.xlane v22, v0  }
0x4a: {  	v14 =	vld [tilespmem:s24+$0xC0];
	[tilespmem:s21+$0x80] =	vst v1;
	v1 =	vadd.f32 v9, v7;
	v7, _, _ =	vpop (xrf2)  }
0x4b: {  	v9 =	vsub.f32 v15, v19;
	v16 =	vadd.f32 v16, v15;
	v19 =	vperm.xlane v17, v0  }
0x4c: {  	(xrf2) =	vadd.scan.msk.f32 $0xffff, v13;
	[tilespmem:s21+$0x70] =	vst v1;
	v1 =	vadd.f32 v8, v3  }
0x4d: {  	v15 =	vld [tilespmem:s24+$0xB0];
	v20 =	vsub.f32 v16, v22;
	v8 =	vadd.f32 v19, v16;
	v16 =	vperm.xlane v7, v0;
	v18, _, _ =	vpop (xrf2)  }
0x4e: {  	v2 =	vadd.f32 v9, v2;
	[tilespmem:s21+$0x60] =	vst v1  }
0x4f: {  	(xrf2) =	vadd.scan.msk.f32 $0xffff, v14;
	v9 =	vsub.f32 v8, v17;
	v8 =	vadd.f32 v16, v8;
	v16 =	vperm.xlane v18, v0  }
0x50: {  	v1 =	vld [tilespmem:s24+$0xA0];
	[tilespmem:s21+$0x50] =	vst v2;
	v2 =	vadd.f32 v20, v5;
	v3, _, _ =	vpop (xrf2)  }
0x51: {  	v5 =	vsub.f32 v8, v7;
	v7 =	vadd.f32 v16, v8;
	v8 =	vperm.xlane v3, v0  }
0x52: {  	(xrf2) =	vadd.scan.msk.f32 $0xffff, v15;
	[tilespmem:s21+$0x40] =	vst v2;
	v2 =	vadd.f32 v9, v4  }
0x53: {  	s23 =	sadd.s32 $0x10, s23;
	v17 =	vld [tilespmem:s24+$0xF0];
	v19, _, _ =	vpop (xrf2);
	v4 =	vsub.f32 v7, v18;
	v16 =	vadd.f32 v8, v7  }
0x54: {  	p1 =	slt.u32 s23, $0x7F0;
	[tilespmem:s21+$0x30] =	vst v2;
	v2 =	vadd.f32 v5, v6  }
0x55: {  	(xrf2) =	vadd.scan.msk.f32 $0xffff, v1;
	v4 =	vadd.f32 v4, v10;
	v3 =	vsub.f32 v16, v3  }
0x56: {  	v9 =	vld [tilespmem:s24+$0x90];
	v6, _, _ =	vpop (xrf2);
	[tilespmem:s21+$0x20] =	vst v2  }
0x57: {  	[tilespmem:s21+$0x10] =	vst v4;
	v2 =	vadd.f32 v3, v11  }
0x58: {  	(xrf2) =	vadd.scan.msk.f32 $0xffff, v17  }
0x59: {  	v8 =	vld [tilespmem:s24+$0x80];
	v10, _, _ =	vpop (xrf2);
	[tilespmem:s21+$0x0] =	vst v2;
	s21 =	smov.u32 s24;
	_ =	sdelay $0x1  }
0x5a: {  	(xrf2) =	vadd.scan.msk.f32 $0xffff, v9  }
0x5b: {  	v7 =	vld [tilespmem:s24+$0x70];
	v11, _, _ =	vpop (xrf2);
	_ =	sdelay $0x1  }
0x5c: {  	(xrf2) =	vadd.scan.msk.f32 $0xffff, v8  }
0x5d: {  	v3 =	vld [tilespmem:s24+$0x60];
	v20, _, _ =	vpop (xrf2);
	_ =	sdelay $0x1  }
0x5e: {  	(xrf2) =	vadd.scan.msk.f32 $0xffff, v7  }
0x5f: {  	v2 =	vld [tilespmem:s24+$0x50];
	v4, _, _ =	vpop (xrf2)  }
0x60: {  	v5 =	vperm.xlane v4, v0  }
0x61: {  	(xrf2) =	vadd.scan.msk.f32 $0xffff, v3  }
0x62: {  	v18 =	vperm.xlane v19, v0;
	v24 =	vadd.f32 v5, v16;
	v5 =	vld [tilespmem:s24+$0x40];
	v21, _, _ =	vpop (xrf2);
	_ =	sdelay $0x1  }
0x63: {  	v23 =	vperm.xlane v6, v0;
	v22 =	vsub.f32 v24, v4;
	v18 =	vadd.f32 v18, v24;
	(xrf2) =	vadd.scan.msk.f32 $0xffff, v2  }
0x64: {  	v4 =	vld [tilespmem:s24+$0x30];
	v16, _, _ =	vpop (xrf2)  }
0x65: {  	v24 =	vadd.f32 v22, v17;
	v22 =	vadd.f32 v23, v18;
	v23 =	vperm.xlane v10, v0  }
0x66: {  	v18 =	vsub.f32 v18, v19;
	(xrf2) =	vadd.scan.msk.f32 $0xffff, v5  }
0x67: {  	[tilespmem:s24+$0xF0] =	vst v24;
	v19 =	vsub.f32 v22, v6;
	v22 =	vadd.f32 v23, v22;
	v23 =	vperm.xlane v11, v0;
	v6 =	vld [tilespmem:s24+$0x20];
	v17, _, _ =	vpop (xrf2)  }
0x68: {  	v12 =	vadd.f32 v18, v12  }
0x69: {  	v24 =	vsub.f32 v22, v10;
	v22 =	vadd.f32 v23, v22;
	v23 =	vperm.xlane v20, v0;
	(xrf2) =	vadd.scan.msk.f32 $0xffff, v4  }
0x6a: {  	[tilespmem:s24+$0xE0] =	vst v12;
	v12 =	vadd.f32 v19, v13;
	v10 =	vld [tilespmem:s24+$0x10];
	v18, _, _ =	vpop (xrf2)  }
.Ltmp2:
0x6b: {  	v13 =	vsub.f32 v22, v11;
	v11 =	vadd.f32 v23, v22;
	v23 =	vperm.xlane v21, v0;
	(pc) =	sbr.rel @p1 .LBB2_3-.Ltmp2, $4  }
0x6c: {  	[tilespmem:s24+$0xD0] =	vst v12;
	v12 =	vadd.f32 v24, v14;
	(xrf2) =	vadd.scan.msk.f32 $0xffff, v6  }
0x6d: {  	v22 =	vperm.xlane v16, v0;
	v14 =	vsub.f32 v11, v20;
	v20 =	vadd.f32 v23, v11;
	v11 =	vld [tilespmem:s24+$0x0];
	v19, _, _ =	vpop (xrf2)  }
0x6e: {  	v13 =	vadd.f32 v13, v15;
	[tilespmem:s24+$0xC0] =	vst v12  }
0x6f: {  	s24 =	sadd.s32 $0xFFFFFF00, s24;
	v15 =	vsub.f32 v20, v21;
	v20 =	vadd.f32 v22, v20;
	v21 =	vperm.xlane v17, v0;
	(xrf2) =	vadd.scan.msk.f32 $0xffff, v10  }
0x70: {  	_ = 	snop  }
0x71: {  	v49 =	vperm.xlane v18, v0;
	v12 =	vadd.f32 v21, v20  }
0x72: {  	(xrf2) =	vadd.scan.msk.f32 $0xffff, v11  }
0x73: {  	v22 =	vperm.xlane v19, v0;
	v21 =	vadd.f32 v49, v12  }
0x74: {  	v23, _, _ =	vpop (xrf2)  }
0x75: {  	v24 =	vperm.xlane v23, v0;
	v22 =	vadd.f32 v22, v21  }
0x76: {  	v1 =	vadd.f32 v14, v1;
	v50, _, _ =	vpop (xrf2)  }
0x77: {  	v16 =	vsub.f32 v20, v16;
	v52 =	vperm.xlane v50, v0;
	v51 =	vadd.f32 v24, v22  }
0x78: {  	v9 =	vadd.f32 v15, v9;
	v12 =	vsub.f32 v12, v17;
	v53, _, _ =	vpop (xrf2)  }
0x79: {  	v8 =	vadd.f32 v16, v8;
	v55 =	vperm.xlane v53, v0;
	v54 =	vadd.f32 v52, v51  }
0x7a: {  	[tilespmem:s21+$0xB0] =	vst v13;
	v56 =	vsub.f32 v21, v18;
	v7 =	vadd.f32 v12, v7;
	v57, _, _ =	vpop (xrf2)  }
0x7b: {  	[tilespmem:s21+$0xA0] =	vst v1;
	v1 =	vsub.f32 v22, v19;
	v58 =	vperm.xlane v57, v0;
	v17 =	vadd.f32 v55, v54  }
0x7c: {  	[tilespmem:s21+$0x90] =	vst v9;
	v3 =	vadd.f32 v56, v3;
	v59 =	vsub.f32 v51, v23;
	v60, _, _ =	vpop (xrf2)  }
0x7d: {  	[tilespmem:s21+$0x80] =	vst v8;
	v1 =	vadd.f32 v1, v2;
	v2 =	vadd.f32 v58, v17;
	v61 =	vperm.xlane v60, v0  }
0x7e: {  	[tilespmem:s21+$0x70] =	vst v7;
	v62 =	vsub.f32 v54, v50;
	v5 =	vadd.f32 v59, v5  }
0x7f: {  	[tilespmem:s21+$0x60] =	vst v3;
	v3 =	vsub.f32 v17, v53;
	v8 =	vadd.f32 v61, v2  }
0x80: {  	s23 =	sadd.s32 s5, s20;
	s24 =	smul.u32 $0x180, s19;
	[tilespmem:s21+$0x50] =	vst v1;
	v1 =	vadd.f32 v62, v4;
	v2 =	vsub.f32 v2, v57  }
0x81: {  	s23 =	sshll.u32 s23, $0xF;
	[tilespmem:s21+$0x40] =	vst v5;
	v3 =	vadd.f32 v3, v6;
	v63 =	vsub.f32 v8, v60  }
0x82: {  	s23 =	sand.u32 $0x3FC0000, s23;
	s24 =	sand.u32 $0x380, s24;
	[tilespmem:s21+$0x30] =	vst v1;
	v1 =	vadd.f32 v2, v10  }
0x83: {  	s23 =	sor.u32 s24, s23;
	[tilespmem:s21+$0x20] =	vst v3;
	v2 =	vadd.f32 v63, v11  }
0x84: {  	s23 =	sshrl.u32 s23, $0x3;
	[tilespmem:s21+$0x10] =	vst v1  }
.Ltmp3:
0x85: {  	s31 =	sadd.s32 s3, s23;
	[tilespmem:s21+$0x0] =	vst v2;
	(pc) =	sbr.rel @p0 .LBB2_7-.Ltmp3, $4  }
0x86: {  	[hbm4b:s31+s8] =	stream.strided.scatter [tilespmem:s4], [sflag:$0x4], $0x8000, s9, s8, $0x38;
	[tilespmem:$0x18000] =	vst v63  }
0x87: {  	_ =	swait.ge [sflag:s12], $0x8000  }
0x88: {  	[sflag:s12] =	ssyncset.done $0x0  }
0x89: {  	s21 =	sadd.s32 $0x2, s20;
	[sflag:s12] =	ssyncadd.s32 $0xFFFF8000  }
0x8a: {  	p0 =	seq.s32 s19, $0xA  }
.Ltmp4:
0x8b: {  	_ = 	snop;
	(pc) =	sbr.rel @p0 .LBB2_8-.Ltmp4, $1  }
0x8c: {  	_ =	sdelay $0x3  }
0x8d: {  	_ =	swait.ge [sflag:s14], $0x8000  }
0x8e: {  	[sflag:s14] =	ssyncset.done $0x0  }
0x8f: {  	[sflag:s14] =	ssyncadd.s32 $0xFFFF8000  }
.LBB2_7:
0x90: {  	s23 =	sadd.s32 s5, s21;
	s24 =	sshll.u32 s21, $0x4  }
0x91: {  	s23 =	sshll.u32 s23, $0xC;
	s24 =	sand.u32 $0x70, s24  }
0x92: {  	s23 =	sand.u32 $0x7F8000, s23;
	s24 =	sadd.s32 s2, s24  }
0x93: {  	s23 =	sadd.s32 s23, s24  }
0x94: {  	[tilespmem:s13], [sflag:$0x3] =	stream.strided.gather [hbm4b:s23+s8], $0x8000, s9, s8, $0x38;
	[tilespmem:$0x18000] =	vst v63  }
.LBB2_8:
0x95: {  	s23 =	simm.s32 $0xFF00  }
0x96: {  	v10 =	vld [tilespmem:s23+$0xE0]  }
0x97: {  	v11 =	vld [tilespmem:s23+$0xD0]  }
0x98: {  	v12 =	vld [tilespmem:s23+$0xC0]  }
0x99: {  	v13 =	vld [tilespmem:s23+$0xB0]  }
0x9a: {  	v1 =	vld [tilespmem:s23+$0xA0]  }
0x9b: {  	v6 =	vld [tilespmem:s23+$0xF0];
	(xrf2) =	vadd.scan.msk.f32 $0xffff, v10  }
0x9c: {  	(xrf2) =	vadd.scan.msk.f32 $0xffff, v11  }
0x9d: {  	(xrf2) =	vadd.scan.msk.f32 $0xffff, v12  }
0x9e: {  	(xrf2) =	vadd.scan.msk.f32 $0xffff, v13  }
0x9f: {  	(xrf2) =	vadd.scan.msk.f32 $0xffff, v1  }
0xa0: {  	(xrf2) =	vadd.scan.msk.f32 $0xffff, v6;
	_ =	sdelay $0x4  }
0xa1: {  	v14, _, _ =	vpop (xrf2)  }
0xa2: {  	v9 =	vld [tilespmem:s23+$0x90];
	v15, _, _ =	vpop (xrf2)  }
0xa3: {  	v16, _, _ =	vpop (xrf2)  }
0xa4: {  	v8 =	vld [tilespmem:s23+$0x80];
	v17, _, _ =	vpop (xrf2)  }
0xa5: {  	v7 =	vld [tilespmem:s23+$0x70];
	v19, _, _ =	vpop (xrf2)  }
0xa6: {  	v4, _, _ =	vpop (xrf2)  }
0xa7: {  	(xrf2) =	vadd.scan.msk.f32 $0xffff, v9;
	v5 =	vperm.xlane v4, v0  }
0xa8: {  	v18 =	vimm.f32 $0.0e+00  }
0xa9: {  	(xrf2) =	vadd.scan.msk.f32 $0xffff, v8;
	v5 =	vadd.f32 v5, v18;
	v18 =	vperm.xlane v14, v0  }
0xaa: {  	v3 =	vld [tilespmem:s23+$0x60];
	(xrf2) =	vadd.scan.msk.f32 $0xffff, v7  }
0xab: {  	v2 =	vld [tilespmem:s23+$0x50];
	v20 =	vperm.xlane v15, v0;
	v18 =	vadd.f32 v18, v5  }
0xac: {  	v22 =	vsub.f32 v5, v4;
	v5 =	vld [tilespmem:s23+$0x40]  }
0xad: {  	v21 =	vperm.xlane v16, v0;
	v23 =	vperm.xlane v17, v0;
	v20 =	vadd.f32 v20, v18;
	_ =	sdelay $0x1  }
0xae: {  	(xrf2) =	vadd.scan.msk.f32 $0xffff, v3;
	v4 =	vld [tilespmem:s23+$0x30];
	v21 =	vadd.f32 v21, v20  }
0xaf: {  	(xrf2) =	vadd.scan.msk.f32 $0xffff, v2  }
0xb0: {  	v14 =	vsub.f32 v18, v14;
	v18 =	vadd.f32 v23, v21;
	v23, _, _ =	vpop (xrf2);
	(xrf2) =	vadd.scan.msk.f32 $0xffff, v5  }
0xb1: {  	v22 =	vadd.f32 v22, v6;
	v6 =	vld [tilespmem:s23+$0x20]  }
0xb2: {  	v15 =	vsub.f32 v20, v15;
	v21 =	vsub.f32 v21, v16;
	v16, _, _ =	vpop (xrf2)  }
0xb3: {  	v20 =	vperm.xlane v19, v0;
	[tilespmem:s23+$0xF0] =	vst v22;
	v22 =	vsub.f32 v18, v17;
	v17, _, _ =	vpop (xrf2);
	(xrf2) =	vadd.scan.msk.f32 $0xffff, v4  }
0xb4: {  	v14 =	vadd.f32 v14, v10;
	v10 =	vld [tilespmem:s23+$0x10]  }
0xb5: {  	v11 =	vadd.f32 v15, v11;
	v15 =	vadd.f32 v20, v18;
	v20 =	vperm.xlane v23, v0  }
0xb6: {  	[tilespmem:s23+$0xE0] =	vst v14;
	v12 =	vadd.f32 v21, v12;
	(xrf2) =	vadd.scan.msk.f32 $0xffff, v6  }
0xb7: {  	[tilespmem:s23+$0xD0] =	vst v11;
	v21 =	vperm.xlane v16, v0;
	v11 =	vld [tilespmem:s23+$0x0];
	v20 =	vadd.f32 v20, v15  }
0xb8: {  	v18, _, _ =	vpop (xrf2);
	v14 =	vsub.f32 v15, v19;
	[tilespmem:s23+$0xC0] =	vst v12;
	v13 =	vadd.f32 v22, v13  }
0xb9: {  	s24 =	simm.s32 $0x0;
	s25 =	simm.s32 $0xFE00;
	(xrf2) =	vadd.scan.msk.f32 $0xffff, v10;
	v19, _, _ =	vpop (xrf2);
	v15 =	vsub.f32 v20, v23;
	v20 =	vadd.f32 v21, v20;
	v21 =	vperm.xlane v17, v0  }
.LBB2_9:
0xba: {  	v12 =	vld [tilespmem:s25+$0xE0];
	[tilespmem:s23+$0xB0] =	vst v13;
	v1 =	vadd.f32 v14, v1;
	v22, _, _ =	vpop (xrf2)  }
0xbb: {  	v14 =	vsub.f32 v20, v16;
	v16 =	vadd.f32 v21, v20;
	v20 =	vperm.xlane v18, v0  }
0xbc: {  	[tilespmem:s23+$0xA0] =	vst v1;
	v1 =	vadd.f32 v15, v9;
	(xrf2) =	vadd.scan.msk.f32 $0xffff, v11  }
0xbd: {  	v13 =	vld [tilespmem:s25+$0xD0];
	v9 =	vsub.f32 v16, v17;
	v15 =	vadd.f32 v20, v16;
	v16 =	vperm.xlane v19, v0;
	v17, _, _ =	vpop (xrf2)  }
0xbe: {  	[tilespmem:s23+$0x90] =	vst v1;
	v1 =	vadd.f32 v14, v8  }
0xbf: {  	(xrf2) =	vadd.scan.msk.f32 $0xffff, v12;
	v8 =	vsub.f32 v15, v18;
	v15 =	vadd.f32 v16, v15;
	v16 =	vperm.xlane v22, v0  }
0xc0: {  	v14 =	vld [tilespmem:s25+$0xC0];
	[tilespmem:s23+$0x80] =	vst v1;
	v1 =	vadd.f32 v9, v7;
	v7, _, _ =	vpop (xrf2)  }
0xc1: {  	v9 =	vsub.f32 v15, v19;
	v16 =	vadd.f32 v16, v15;
	v19 =	vperm.xlane v17, v0  }
0xc2: {  	(xrf2) =	vadd.scan.msk.f32 $0xffff, v13;
	[tilespmem:s23+$0x70] =	vst v1;
	v1 =	vadd.f32 v8, v3  }
0xc3: {  	v15 =	vld [tilespmem:s25+$0xB0];
	v20 =	vsub.f32 v16, v22;
	v8 =	vadd.f32 v19, v16;
	v16 =	vperm.xlane v7, v0;
	v18, _, _ =	vpop (xrf2)  }
0xc4: {  	v2 =	vadd.f32 v9, v2;
	[tilespmem:s23+$0x60] =	vst v1  }
0xc5: {  	(xrf2) =	vadd.scan.msk.f32 $0xffff, v14;
	v9 =	vsub.f32 v8, v17;
	v8 =	vadd.f32 v16, v8;
	v16 =	vperm.xlane v18, v0  }
0xc6: {  	v1 =	vld [tilespmem:s25+$0xA0];
	[tilespmem:s23+$0x50] =	vst v2;
	v2 =	vadd.f32 v20, v5;
	v3, _, _ =	vpop (xrf2)  }
0xc7: {  	v5 =	vsub.f32 v8, v7;
	v7 =	vadd.f32 v16, v8;
	v8 =	vperm.xlane v3, v0  }
0xc8: {  	(xrf2) =	vadd.scan.msk.f32 $0xffff, v15;
	[tilespmem:s23+$0x40] =	vst v2;
	v2 =	vadd.f32 v9, v4  }
0xc9: {  	s24 =	sadd.s32 $0x10, s24;
	v17 =	vld [tilespmem:s25+$0xF0];
	v19, _, _ =	vpop (xrf2);
	v4 =	vsub.f32 v7, v18;
	v16 =	vadd.f32 v8, v7  }
0xca: {  	p0 =	slt.u32 s24, $0x7F0;
	[tilespmem:s23+$0x30] =	vst v2;
	v2 =	vadd.f32 v5, v6  }
0xcb: {  	(xrf2) =	vadd.scan.msk.f32 $0xffff, v1;
	v4 =	vadd.f32 v4, v10;
	v3 =	vsub.f32 v16, v3  }
0xcc: {  	v9 =	vld [tilespmem:s25+$0x90];
	v6, _, _ =	vpop (xrf2);
	[tilespmem:s23+$0x20] =	vst v2  }
0xcd: {  	[tilespmem:s23+$0x10] =	vst v4;
	v2 =	vadd.f32 v3, v11  }
0xce: {  	(xrf2) =	vadd.scan.msk.f32 $0xffff, v17  }
0xcf: {  	v8 =	vld [tilespmem:s25+$0x80];
	v10, _, _ =	vpop (xrf2);
	[tilespmem:s23+$0x0] =	vst v2;
	s23 =	smov.u32 s25;
	_ =	sdelay $0x1  }
0xd0: {  	(xrf2) =	vadd.scan.msk.f32 $0xffff, v9  }
0xd1: {  	v7 =	vld [tilespmem:s25+$0x70];
	v11, _, _ =	vpop (xrf2);
	_ =	sdelay $0x1  }
0xd2: {  	(xrf2) =	vadd.scan.msk.f32 $0xffff, v8  }
0xd3: {  	v3 =	vld [tilespmem:s25+$0x60];
	v20, _, _ =	vpop (xrf2);
	_ =	sdelay $0x1  }
0xd4: {  	(xrf2) =	vadd.scan.msk.f32 $0xffff, v7  }
0xd5: {  	v2 =	vld [tilespmem:s25+$0x50];
	v4, _, _ =	vpop (xrf2)  }
0xd6: {  	v5 =	vperm.xlane v4, v0  }
0xd7: {  	(xrf2) =	vadd.scan.msk.f32 $0xffff, v3  }
0xd8: {  	v18 =	vperm.xlane v19, v0;
	v24 =	vadd.f32 v5, v16;
	v5 =	vld [tilespmem:s25+$0x40];
	v21, _, _ =	vpop (xrf2);
	_ =	sdelay $0x1  }
0xd9: {  	v23 =	vperm.xlane v6, v0;
	v22 =	vsub.f32 v24, v4;
	v18 =	vadd.f32 v18, v24;
	(xrf2) =	vadd.scan.msk.f32 $0xffff, v2  }
0xda: {  	v4 =	vld [tilespmem:s25+$0x30];
	v16, _, _ =	vpop (xrf2)  }
0xdb: {  	v24 =	vadd.f32 v22, v17;
	v22 =	vadd.f32 v23, v18;
	v23 =	vperm.xlane v10, v0  }
0xdc: {  	v18 =	vsub.f32 v18, v19;
	(xrf2) =	vadd.scan.msk.f32 $0xffff, v5  }
0xdd: {  	[tilespmem:s25+$0xF0] =	vst v24;
	v19 =	vsub.f32 v22, v6;
	v22 =	vadd.f32 v23, v22;
	v23 =	vperm.xlane v11, v0;
	v6 =	vld [tilespmem:s25+$0x20];
	v17, _, _ =	vpop (xrf2)  }
0xde: {  	v12 =	vadd.f32 v18, v12  }
0xdf: {  	v24 =	vsub.f32 v22, v10;
	v22 =	vadd.f32 v23, v22;
	v23 =	vperm.xlane v20, v0;
	(xrf2) =	vadd.scan.msk.f32 $0xffff, v4  }
0xe0: {  	[tilespmem:s25+$0xE0] =	vst v12;
	v12 =	vadd.f32 v19, v13;
	v10 =	vld [tilespmem:s25+$0x10];
	v18, _, _ =	vpop (xrf2)  }
.Ltmp5:
0xe1: {  	v13 =	vsub.f32 v22, v11;
	v11 =	vadd.f32 v23, v22;
	v23 =	vperm.xlane v21, v0;
	(pc) =	sbr.rel @p0 .LBB2_9-.Ltmp5, $4  }
0xe2: {  	[tilespmem:s25+$0xD0] =	vst v12;
	v12 =	vadd.f32 v24, v14;
	(xrf2) =	vadd.scan.msk.f32 $0xffff, v6  }
0xe3: {  	v22 =	vperm.xlane v16, v0;
	v14 =	vsub.f32 v11, v20;
	v20 =	vadd.f32 v23, v11;
	v11 =	vld [tilespmem:s25+$0x0];
	v19, _, _ =	vpop (xrf2)  }
0xe4: {  	v13 =	vadd.f32 v13, v15;
	[tilespmem:s25+$0xC0] =	vst v12  }
0xe5: {  	s25 =	sadd.s32 $0xFFFFFF00, s25;
	v15 =	vsub.f32 v20, v21;
	v20 =	vadd.f32 v22, v20;
	v21 =	vperm.xlane v17, v0;
	(xrf2) =	vadd.scan.msk.f32 $0xffff, v10  }
0xe6: {  	_ = 	snop  }
0xe7: {  	v49 =	vperm.xlane v18, v0;
	v12 =	vadd.f32 v21, v20  }
0xe8: {  	(xrf2) =	vadd.scan.msk.f32 $0xffff, v11  }
0xe9: {  	v22 =	vperm.xlane v19, v0;
	v21 =	vadd.f32 v49, v12  }
0xea: {  	v23, _, _ =	vpop (xrf2)  }
0xeb: {  	v24 =	vperm.xlane v23, v0;
	v22 =	vadd.f32 v22, v21  }
0xec: {  	v1 =	vadd.f32 v14, v1;
	v50, _, _ =	vpop (xrf2)  }
0xed: {  	v16 =	vsub.f32 v20, v16;
	v52 =	vperm.xlane v50, v0;
	v51 =	vadd.f32 v24, v22  }
0xee: {  	v9 =	vadd.f32 v15, v9;
	v12 =	vsub.f32 v12, v17;
	v53, _, _ =	vpop (xrf2)  }
0xef: {  	v8 =	vadd.f32 v16, v8;
	v55 =	vperm.xlane v53, v0;
	v54 =	vadd.f32 v52, v51  }
0xf0: {  	[tilespmem:s23+$0xB0] =	vst v13;
	v56 =	vsub.f32 v21, v18;
	v7 =	vadd.f32 v12, v7;
	v57, _, _ =	vpop (xrf2)  }
0xf1: {  	[tilespmem:s23+$0xA0] =	vst v1;
	v1 =	vsub.f32 v22, v19;
	v58 =	vperm.xlane v57, v0;
	v17 =	vadd.f32 v55, v54  }
0xf2: {  	[tilespmem:s23+$0x90] =	vst v9;
	v3 =	vadd.f32 v56, v3;
	v59 =	vsub.f32 v51, v23;
	v60, _, _ =	vpop (xrf2)  }
0xf3: {  	[tilespmem:s23+$0x80] =	vst v8;
	v1 =	vadd.f32 v1, v2;
	v2 =	vadd.f32 v58, v17;
	v61 =	vperm.xlane v60, v0  }
0xf4: {  	[tilespmem:s23+$0x70] =	vst v7;
	v62 =	vsub.f32 v54, v50;
	v5 =	vadd.f32 v59, v5  }
0xf5: {  	[tilespmem:s23+$0x60] =	vst v3;
	v3 =	vsub.f32 v17, v53;
	v8 =	vadd.f32 v61, v2  }
0xf6: {  	[tilespmem:s23+$0x50] =	vst v1;
	v1 =	vadd.f32 v62, v4;
	v2 =	vsub.f32 v2, v57  }
0xf7: {  	p0 =	seq.s32 s19, $0xA;
	[tilespmem:s23+$0x40] =	vst v5;
	v3 =	vadd.f32 v3, v6;
	v63 =	vsub.f32 v8, v60  }
.Ltmp6:
0xf8: {  	[tilespmem:s23+$0x30] =	vst v1;
	v1 =	vadd.f32 v2, v10;
	(pc) =	sbr.rel @p0 .LBB2_14-.Ltmp6, $4  }
0xf9: {  	[tilespmem:s23+$0x20] =	vst v3;
	v2 =	vadd.f32 v63, v11  }
0xfa: {  	[tilespmem:s23+$0x10] =	vst v1  }
0xfb: {  	s22 =	sadd.s32 s3, s22;
	[tilespmem:s23+$0x0] =	vst v2  }
0xfc: {  	[hbm4b:s22+s8] =	stream.strided.scatter [tilespmem:s11], [sflag:$0x5], $0x8000, s9, s8, $0x38;
	[tilespmem:$0x18000] =	vst v63  }
0xfd: {  	_ =	swait.ge [sflag:s17], $0x8000  }
0xfe: {  	s20 =	sadd.s32 $0x3, s20;
	[sflag:s17] =	ssyncset.done $0x0  }
0xff: {  	s22 =	sadd.s32 s5, s20;
	s20 =	sshll.u32 s20, $0x4;
	[sflag:s17] =	ssyncadd.s32 $0xFFFF8000  }
0x100: {  	s22 =	sshll.u32 s22, $0xC;
	s20 =	sand.u32 $0x70, s20;
	_ =	swait.ge [sflag:s15], $0x8000  }
0x101: {  	s22 =	sand.u32 $0x7F8000, s22;
	s20 =	sadd.s32 s2, s20;
	[sflag:s15] =	ssyncset.done $0x0  }
0x102: {  	s20 =	sadd.s32 s22, s20;
	[sflag:s15] =	ssyncadd.s32 $0xFFFF8000  }
0x103: {  	[tilespmem:s4], [sflag:$0x1] =	stream.strided.gather [hbm4b:s20+s8], $0x8000, s9, s8, $0x38;
	[tilespmem:$0x18000] =	vst v63  }
0x104: {  	s20 =	simm.s32 $0x17F00  }
0x105: {  	v10 =	vld [tilespmem:s20+$0xE0]  }
0x106: {  	v11 =	vld [tilespmem:s20+$0xD0]  }
0x107: {  	v12 =	vld [tilespmem:s20+$0xC0]  }
0x108: {  	v13 =	vld [tilespmem:s20+$0xB0]  }
0x109: {  	v1 =	vld [tilespmem:s20+$0xA0]  }
0x10a: {  	v6 =	vld [tilespmem:s20+$0xF0];
	(xrf2) =	vadd.scan.msk.f32 $0xffff, v10  }
0x10b: {  	(xrf2) =	vadd.scan.msk.f32 $0xffff, v11  }
0x10c: {  	(xrf2) =	vadd.scan.msk.f32 $0xffff, v12  }
0x10d: {  	(xrf2) =	vadd.scan.msk.f32 $0xffff, v13  }
0x10e: {  	(xrf2) =	vadd.scan.msk.f32 $0xffff, v1  }
0x10f: {  	(xrf2) =	vadd.scan.msk.f32 $0xffff, v6;
	_ =	sdelay $0x4  }
0x110: {  	v14, _, _ =	vpop (xrf2)  }
0x111: {  	v9 =	vld [tilespmem:s20+$0x90];
	v15, _, _ =	vpop (xrf2)  }
0x112: {  	v16, _, _ =	vpop (xrf2)  }
0x113: {  	v8 =	vld [tilespmem:s20+$0x80];
	v17, _, _ =	vpop (xrf2)  }
0x114: {  	v7 =	vld [tilespmem:s20+$0x70];
	v19, _, _ =	vpop (xrf2)  }
0x115: {  	v4, _, _ =	vpop (xrf2)  }
0x116: {  	(xrf2) =	vadd.scan.msk.f32 $0xffff, v9;
	v5 =	vperm.xlane v4, v0  }
0x117: {  	v18 =	vimm.f32 $0.0e+00  }
0x118: {  	(xrf2) =	vadd.scan.msk.f32 $0xffff, v8;
	v5 =	vadd.f32 v5, v18;
	v18 =	vperm.xlane v14, v0  }
0x119: {  	v3 =	vld [tilespmem:s20+$0x60];
	(xrf2) =	vadd.scan.msk.f32 $0xffff, v7  }
0x11a: {  	v2 =	vld [tilespmem:s20+$0x50];
	v20 =	vperm.xlane v15, v0;
	v18 =	vadd.f32 v18, v5  }
0x11b: {  	v22 =	vsub.f32 v5, v4;
	v5 =	vld [tilespmem:s20+$0x40]  }
0x11c: {  	v21 =	vperm.xlane v16, v0;
	v23 =	vperm.xlane v17, v0;
	v20 =	vadd.f32 v20, v18;
	_ =	sdelay $0x1  }
0x11d: {  	(xrf2) =	vadd.scan.msk.f32 $0xffff, v3;
	v4 =	vld [tilespmem:s20+$0x30];
	v21 =	vadd.f32 v21, v20  }
0x11e: {  	(xrf2) =	vadd.scan.msk.f32 $0xffff, v2  }
0x11f: {  	v14 =	vsub.f32 v18, v14;
	v18 =	vadd.f32 v23, v21;
	v23, _, _ =	vpop (xrf2);
	(xrf2) =	vadd.scan.msk.f32 $0xffff, v5  }
0x120: {  	v22 =	vadd.f32 v22, v6;
	v6 =	vld [tilespmem:s20+$0x20]  }
0x121: {  	v15 =	vsub.f32 v20, v15;
	v21 =	vsub.f32 v21, v16;
	v16, _, _ =	vpop (xrf2)  }
0x122: {  	v20 =	vperm.xlane v19, v0;
	[tilespmem:s20+$0xF0] =	vst v22;
	v22 =	vsub.f32 v18, v17;
	v17, _, _ =	vpop (xrf2);
	(xrf2) =	vadd.scan.msk.f32 $0xffff, v4  }
0x123: {  	v14 =	vadd.f32 v14, v10;
	v10 =	vld [tilespmem:s20+$0x10]  }
0x124: {  	v11 =	vadd.f32 v15, v11;
	v15 =	vadd.f32 v20, v18;
	v20 =	vperm.xlane v23, v0  }
0x125: {  	[tilespmem:s20+$0xE0] =	vst v14;
	v12 =	vadd.f32 v21, v12;
	(xrf2) =	vadd.scan.msk.f32 $0xffff, v6  }
0x126: {  	[tilespmem:s20+$0xD0] =	vst v11;
	v21 =	vperm.xlane v16, v0;
	v11 =	vld [tilespmem:s20+$0x0];
	v20 =	vadd.f32 v20, v15  }
0x127: {  	v18, _, _ =	vpop (xrf2);
	v14 =	vsub.f32 v15, v19;
	[tilespmem:s20+$0xC0] =	vst v12;
	v13 =	vadd.f32 v22, v13  }
0x128: {  	s23 =	simm.s32 $0x17E00;
	s22 =	simm.s32 $0x0;
	(xrf2) =	vadd.scan.msk.f32 $0xffff, v10;
	v19, _, _ =	vpop (xrf2);
	v15 =	vsub.f32 v20, v23;
	v20 =	vadd.f32 v21, v20;
	v21 =	vperm.xlane v17, v0  }
.LBB2_12:
0x129: {  	v12 =	vld [tilespmem:s23+$0xE0];
	[tilespmem:s20+$0xB0] =	vst v13;
	v1 =	vadd.f32 v14, v1;
	v22, _, _ =	vpop (xrf2)  }
0x12a: {  	v14 =	vsub.f32 v20, v16;
	v16 =	vadd.f32 v21, v20;
	v20 =	vperm.xlane v18, v0  }
0x12b: {  	[tilespmem:s20+$0xA0] =	vst v1;
	v1 =	vadd.f32 v15, v9;
	(xrf2) =	vadd.scan.msk.f32 $0xffff, v11  }
0x12c: {  	v13 =	vld [tilespmem:s23+$0xD0];
	v9 =	vsub.f32 v16, v17;
	v15 =	vadd.f32 v20, v16;
	v16 =	vperm.xlane v19, v0;
	v17, _, _ =	vpop (xrf2)  }
0x12d: {  	[tilespmem:s20+$0x90] =	vst v1;
	v1 =	vadd.f32 v14, v8  }
0x12e: {  	(xrf2) =	vadd.scan.msk.f32 $0xffff, v12;
	v8 =	vsub.f32 v15, v18;
	v15 =	vadd.f32 v16, v15;
	v16 =	vperm.xlane v22, v0  }
0x12f: {  	v14 =	vld [tilespmem:s23+$0xC0];
	[tilespmem:s20+$0x80] =	vst v1;
	v1 =	vadd.f32 v9, v7;
	v7, _, _ =	vpop (xrf2)  }
0x130: {  	v9 =	vsub.f32 v15, v19;
	v16 =	vadd.f32 v16, v15;
	v19 =	vperm.xlane v17, v0  }
0x131: {  	(xrf2) =	vadd.scan.msk.f32 $0xffff, v13;
	[tilespmem:s20+$0x70] =	vst v1;
	v1 =	vadd.f32 v8, v3  }
0x132: {  	v15 =	vld [tilespmem:s23+$0xB0];
	v20 =	vsub.f32 v16, v22;
	v8 =	vadd.f32 v19, v16;
	v16 =	vperm.xlane v7, v0;
	v18, _, _ =	vpop (xrf2)  }
0x133: {  	v2 =	vadd.f32 v9, v2;
	[tilespmem:s20+$0x60] =	vst v1  }
0x134: {  	(xrf2) =	vadd.scan.msk.f32 $0xffff, v14;
	v9 =	vsub.f32 v8, v17;
	v8 =	vadd.f32 v16, v8;
	v16 =	vperm.xlane v18, v0  }
0x135: {  	v1 =	vld [tilespmem:s23+$0xA0];
	[tilespmem:s20+$0x50] =	vst v2;
	v2 =	vadd.f32 v20, v5;
	v3, _, _ =	vpop (xrf2)  }
0x136: {  	v5 =	vsub.f32 v8, v7;
	v7 =	vadd.f32 v16, v8;
	v8 =	vperm.xlane v3, v0  }
0x137: {  	(xrf2) =	vadd.scan.msk.f32 $0xffff, v15;
	[tilespmem:s20+$0x40] =	vst v2;
	v2 =	vadd.f32 v9, v4  }
0x138: {  	s22 =	sadd.s32 $0x10, s22;
	v17 =	vld [tilespmem:s23+$0xF0];
	v19, _, _ =	vpop (xrf2);
	v4 =	vsub.f32 v7, v18;
	v16 =	vadd.f32 v8, v7  }
0x139: {  	p0 =	slt.u32 s22, $0x7F0;
	[tilespmem:s20+$0x30] =	vst v2;
	v2 =	vadd.f32 v5, v6  }
0x13a: {  	(xrf2) =	vadd.scan.msk.f32 $0xffff, v1;
	v4 =	vadd.f32 v4, v10;
	v3 =	vsub.f32 v16, v3  }
0x13b: {  	v9 =	vld [tilespmem:s23+$0x90];
	v6, _, _ =	vpop (xrf2);
	[tilespmem:s20+$0x20] =	vst v2  }
0x13c: {  	[tilespmem:s20+$0x10] =	vst v4;
	v2 =	vadd.f32 v3, v11  }
0x13d: {  	(xrf2) =	vadd.scan.msk.f32 $0xffff, v17  }
0x13e: {  	v8 =	vld [tilespmem:s23+$0x80];
	v10, _, _ =	vpop (xrf2);
	[tilespmem:s20+$0x0] =	vst v2;
	s20 =	smov.u32 s23;
	_ =	sdelay $0x1  }
0x13f: {  	(xrf2) =	vadd.scan.msk.f32 $0xffff, v9  }
0x140: {  	v7 =	vld [tilespmem:s23+$0x70];
	v11, _, _ =	vpop (xrf2);
	_ =	sdelay $0x1  }
0x141: {  	(xrf2) =	vadd.scan.msk.f32 $0xffff, v8  }
0x142: {  	v3 =	vld [tilespmem:s23+$0x60];
	v20, _, _ =	vpop (xrf2);
	_ =	sdelay $0x1  }
0x143: {  	(xrf2) =	vadd.scan.msk.f32 $0xffff, v7  }
0x144: {  	v2 =	vld [tilespmem:s23+$0x50];
	v4, _, _ =	vpop (xrf2)  }
0x145: {  	v5 =	vperm.xlane v4, v0  }
0x146: {  	(xrf2) =	vadd.scan.msk.f32 $0xffff, v3  }
0x147: {  	v18 =	vperm.xlane v19, v0;
	v24 =	vadd.f32 v5, v16;
	v5 =	vld [tilespmem:s23+$0x40];
	v21, _, _ =	vpop (xrf2);
	_ =	sdelay $0x1  }
0x148: {  	v23 =	vperm.xlane v6, v0;
	v22 =	vsub.f32 v24, v4;
	v18 =	vadd.f32 v18, v24;
	(xrf2) =	vadd.scan.msk.f32 $0xffff, v2  }
0x149: {  	v4 =	vld [tilespmem:s23+$0x30];
	v16, _, _ =	vpop (xrf2)  }
0x14a: {  	v24 =	vadd.f32 v22, v17;
	v22 =	vadd.f32 v23, v18;
	v23 =	vperm.xlane v10, v0  }
0x14b: {  	v18 =	vsub.f32 v18, v19;
	(xrf2) =	vadd.scan.msk.f32 $0xffff, v5  }
0x14c: {  	[tilespmem:s23+$0xF0] =	vst v24;
	v19 =	vsub.f32 v22, v6;
	v22 =	vadd.f32 v23, v22;
	v23 =	vperm.xlane v11, v0;
	v6 =	vld [tilespmem:s23+$0x20];
	v17, _, _ =	vpop (xrf2)  }
0x14d: {  	v12 =	vadd.f32 v18, v12  }
0x14e: {  	v24 =	vsub.f32 v22, v10;
	v22 =	vadd.f32 v23, v22;
	v23 =	vperm.xlane v20, v0;
	(xrf2) =	vadd.scan.msk.f32 $0xffff, v4  }
0x14f: {  	[tilespmem:s23+$0xE0] =	vst v12;
	v12 =	vadd.f32 v19, v13;
	v10 =	vld [tilespmem:s23+$0x10];
	v18, _, _ =	vpop (xrf2)  }
.Ltmp7:
0x150: {  	v13 =	vsub.f32 v22, v11;
	v11 =	vadd.f32 v23, v22;
	v23 =	vperm.xlane v21, v0;
	(pc) =	sbr.rel @p0 .LBB2_12-.Ltmp7, $4  }
0x151: {  	[tilespmem:s23+$0xD0] =	vst v12;
	v12 =	vadd.f32 v24, v14;
	(xrf2) =	vadd.scan.msk.f32 $0xffff, v6  }
0x152: {  	v22 =	vperm.xlane v16, v0;
	v14 =	vsub.f32 v11, v20;
	v20 =	vadd.f32 v23, v11;
	v11 =	vld [tilespmem:s23+$0x0];
	v19, _, _ =	vpop (xrf2)  }
0x153: {  	v13 =	vadd.f32 v13, v15;
	[tilespmem:s23+$0xC0] =	vst v12  }
0x154: {  	s23 =	sadd.s32 $0xFFFFFF00, s23;
	v15 =	vsub.f32 v20, v21;
	v20 =	vadd.f32 v22, v20;
	v21 =	vperm.xlane v17, v0;
	(xrf2) =	vadd.scan.msk.f32 $0xffff, v10  }
0x155: {  	_ = 	snop  }
0x156: {  	v49 =	vperm.xlane v18, v0;
	v12 =	vadd.f32 v21, v20  }
0x157: {  	(xrf2) =	vadd.scan.msk.f32 $0xffff, v11  }
0x158: {  	v22 =	vperm.xlane v19, v0;
	v21 =	vadd.f32 v49, v12  }
0x159: {  	v23, _, _ =	vpop (xrf2)  }
0x15a: {  	v24 =	vperm.xlane v23, v0;
	v22 =	vadd.f32 v22, v21  }
0x15b: {  	v1 =	vadd.f32 v14, v1;
	v50, _, _ =	vpop (xrf2)  }
0x15c: {  	v16 =	vsub.f32 v20, v16;
	v52 =	vperm.xlane v50, v0;
	v51 =	vadd.f32 v24, v22  }
0x15d: {  	v9 =	vadd.f32 v15, v9;
	v12 =	vsub.f32 v12, v17;
	v53, _, _ =	vpop (xrf2)  }
0x15e: {  	v8 =	vadd.f32 v16, v8;
	v55 =	vperm.xlane v53, v0;
	v54 =	vadd.f32 v52, v51  }
0x15f: {  	[tilespmem:s20+$0xB0] =	vst v13;
	v56 =	vsub.f32 v21, v18;
	v7 =	vadd.f32 v12, v7;
	v57, _, _ =	vpop (xrf2)  }
0x160: {  	[tilespmem:s20+$0xA0] =	vst v1;
	v1 =	vsub.f32 v22, v19;
	v58 =	vperm.xlane v57, v0;
	v17 =	vadd.f32 v55, v54  }
0x161: {  	[tilespmem:s20+$0x90] =	vst v9;
	v3 =	vadd.f32 v56, v3;
	v59 =	vsub.f32 v51, v23;
	v60, _, _ =	vpop (xrf2)  }
0x162: {  	[tilespmem:s20+$0x80] =	vst v8;
	v1 =	vadd.f32 v1, v2;
	v2 =	vadd.f32 v58, v17;
	v61 =	vperm.xlane v60, v0  }
0x163: {  	[tilespmem:s20+$0x70] =	vst v7;
	v62 =	vsub.f32 v54, v50;
	v5 =	vadd.f32 v59, v5  }
0x164: {  	[tilespmem:s20+$0x60] =	vst v3;
	v3 =	vsub.f32 v17, v53;
	v8 =	vadd.f32 v61, v2  }
0x165: {  	[tilespmem:s20+$0x50] =	vst v1;
	v1 =	vadd.f32 v62, v4;
	v2 =	vsub.f32 v2, v57  }
0x166: {  	[tilespmem:s20+$0x40] =	vst v5;
	v3 =	vadd.f32 v3, v6;
	v63 =	vsub.f32 v8, v60  }
.Ltmp8:
0x167: {  	s22 =	sadd.s32 s5, s21;
	s30 =	sshll.u32 s21, $0x4;
	[tilespmem:s20+$0x30] =	vst v1;
	v1 =	vadd.f32 v2, v10;
	(pc) =	sbr.rel .LBB2_2-.Ltmp8, $4  }
0x168: {  	s22 =	sshll.u32 s22, $0xC;
	s21 =	sand.u32 $0x70, s30;
	[tilespmem:s20+$0x20] =	vst v3;
	v2 =	vadd.f32 v63, v11  }
0x169: {  	s22 =	sand.u32 $0x7F8000, s22;
	s21 =	sadd.s32 s3, s21;
	[tilespmem:s20+$0x10] =	vst v1  }
0x16a: {  	s19 =	sadd.s32 $0x1, s19;
	s31 =	sadd.s32 s22, s21;
	[tilespmem:s20+$0x0] =	vst v2  }
0x16b: {  	[hbm4b:s31+s8] =	stream.strided.scatter [tilespmem:s13], [sflag:$0x6], $0x8000, s9, s8, $0x38;
	[tilespmem:$0x18000] =	vst v63  }
.LBB2_15:
0x16c: {  	_ =	sfence.sel $0x180000  }
0x16d: {  	[bflag:$0x0] =	sbarrier.arrive $0xFFFF  }
0x16e: {  	p0 =	sne.s32 s1, $0x0;
	_ =	strace $0x90000047  }
0x16f: {  	s0 =	sadd.s32 @!p0 $0x100000, s0;
	[bflag:$0x2] =	sbarrier.arrive $0xFFFF  }
0x170: {  	[sflag:s0] =	ssyncadd.tile.s32 @!p0 $0x1;
	_ =	shalt  }
.Lfunc_end2:
_tile_overlayer_lowered:
.L_overlay_start_2:
0x171: {  	(tag) =	ssettag $0x2  }
0x172: {  	s0 =	rddreg [dreg:$0x0];
	s2 =	stileid.u32  }
0x173: {  	s1 =	rddreg [dreg:$0x1];
	p0 =	sne.s32 s2, $0x0  }
0x174: {  	s3 =	rddreg [dreg:$0x2];
	[bflag:$0x3] =	sbarrier.arrive $0xFFFF;
	s2 =	simm.s32 @!p0 $0x1C07  }
0x175: {  	[timem:s3], [sflag:s2] =	dma.local @!p0 [hbm:s0], s1  }
0x176: {  	s0 =	simm.s32 @!p0 $0x7  }
0x177: {  	_ =	swait.ge @!p0 [sflag:s0], s1  }
0x178: {  	s1 =	ssub.s32 @!p0 $0x0, s1;
	[sflag:s0] =	ssyncset.done @!p0 $0x0  }
0x179: {  	[sflag:s0] =	ssyncadd.s32 @!p0 s1  }
0x17a: {  	[bflag:$0x3] =	sbarrier.arrive $0xFFFF  }
0x17b: {  	_ =	shalt  }

</sc_bundles>
